<compile_context>
chip_gen: v7x
topology: tpu7x:2x2x1
jax: 0.10.2.dev20260603
libtpu: 0.0.44.dev20260713+nightly
codegen_flags: <defaults>
</compile_context>

<pallas_src>
import functools

import jax
import jax.numpy as jnp
from jax import lax
from jax.experimental import pallas as pl
from jax.experimental.pallas import tpu as pltpu
from jax.experimental.pallas import tpu_sc as plsc

E = 320000
N = 10000
D = 128

_K = 1
_ES = E // _K


_BE = 8000


def _msg_body(x_ref, rbf_ref, wt_ref, b_ref, out_ref):
    f = jnp.dot(rbf_ref[...], wt_ref[...], preferred_element_type=jnp.float32)
    out_ref[...] = (f + b_ref[...]) * x_ref[...]


def _edge_messages(x, rbf, wt, b):
    return pl.pallas_call(
        _msg_body,
        grid=(_ES // _BE,),
        in_specs=[
            pl.BlockSpec((_BE, D), lambda i: (i, 0)),
            pl.BlockSpec((_BE, 16), lambda i: (i, 0)),
            pl.BlockSpec((16, D), lambda i: (0, 0)),
            pl.BlockSpec((1, D), lambda i: (0, 0)),
        ],
        out_specs=pl.BlockSpec((_BE, D), lambda i: (i, 0)),
        out_shape=jax.ShapeDtypeStruct((_ES, D), jnp.float32),
    )(x, rbf, wt, b)



_NC = 2
_NS = 16
_NW = _NC * _NS
_EPW = _ES // _NW
_CH = 80
_NT = _EPW // _CH
_NP = 10240
_RPT = _NP // _NS


def _scatter_add(msg, idx3, init, first):
    mesh = plsc.VectorSubcoreMesh(core_axis_name="c", subcore_axis_name="s")

    @functools.partial(
        pl.kernel,
        mesh=mesh,
        out_type=jax.ShapeDtypeStruct((_NC * _NP, D), jnp.float32),
        scratch_types=[
            pltpu.VMEM((3, _CH, D), jnp.float32),
            pltpu.VMEM((_NT, _CH), jnp.int32),
            pltpu.VMEM_SHARED((_NP, D), jnp.float32),
            pltpu.SemaphoreType.DMA,
            pltpu.SemaphoreType.DMA,
            pltpu.SemaphoreType.DMA,
        ],
    )
    def k(msg_hbm, idx_hbm, init_hbm, out_hbm, msg_v, idx_v, acc,
          sem0, sem1, sem2):
        c = lax.axis_index("c")
        s = lax.axis_index("s")
        wid = c * _NS + s
        base = wid * _EPW

        sems = (sem0, sem1, sem2)

        def load(t, j):
            return pltpu.async_copy(
                msg_hbm.at[pl.ds(base + t * _CH, _CH)], msg_v.at[j], sems[j])

        def wait(j):
            pltpu.make_async_copy(
                msg_hbm.at[pl.ds(base, _CH)], msg_v.at[j], sems[j]).wait()

        def scat(t, j):
            pltpu.sync_copy(msg_v.at[j], acc.at[idx_v.at[t]], add=True)

        load(0, 0)
        load(1, 1)
        load(2, 2)

        if first:
            pltpu.sync_copy(init_hbm, acc.at[pl.ds(s * _RPT, _RPT)])
        else:
            pltpu.sync_copy(init_hbm.at[pl.ds(c * _NP + s * _RPT, _RPT)],
                            acc.at[pl.ds(s * _RPT, _RPT)])
        pltpu.sync_copy(idx_hbm.at[wid], idx_v)
        plsc.subcore_barrier()

        def step(i, carry):
            t0 = 3 * i
            for j in range(3):
                wait(j)
                scat(t0 + j, j)

                @pl.when(t0 + j + 3 < _NT)
                def _():
                    load(t0 + j + 3, j)
            return carry

        lax.fori_loop(0, _NT // 3, step, 0)
        for j in range(_NT - 3 * (_NT // 3)):
            t = 3 * (_NT // 3) + j
            wait(j)
            scat(t, j)
        plsc.subcore_barrier()

        pltpu.sync_copy(acc.at[pl.ds(s * _RPT, _RPT)],
                        out_hbm.at[pl.ds(c * _NP + s * _RPT, _RPT)])

    return k(msg, idx3, init)



_BN = 640


def _mlp_body(p0_ref, p1_ref, w1_ref, b1_ref, w2_ref, b2_ref, w3_ref, b3_ref,
              out_ref):
    node = p0_ref[...] + p1_ref[...]
    h = node @ w1_ref[...] + b1_ref[...]
    h = h * jax.nn.sigmoid(h)
    h = h @ w2_ref[...] + b2_ref[...]
    h = h * jax.nn.sigmoid(h)
    out_ref[...] = h @ w3_ref[...] + b3_ref[...]


def _mlp(parts, W1, b1, W2, b2, W3, b3):
    nb = _NP // _BN
    return pl.pallas_call(
        _mlp_body,
        grid=(pl.cdiv(N, _BN),),
        in_specs=[
            pl.BlockSpec((_BN, D), lambda i: (i, 0)),
            pl.BlockSpec((_BN, D), lambda i: (i + nb, 0)),
            pl.BlockSpec((D, D), lambda i: (0, 0)),
            pl.BlockSpec((1, D), lambda i: (0, 0)),
            pl.BlockSpec((D, D), lambda i: (0, 0)),
            pl.BlockSpec((1, D), lambda i: (0, 0)),
            pl.BlockSpec((D, 1), lambda i: (0, 0)),
            pl.BlockSpec((1, 1), lambda i: (0, 0)),
        ],
        out_specs=pl.BlockSpec((_BN, 1), lambda i: (i, 0)),
        out_shape=jax.ShapeDtypeStruct((N, 1), jnp.float32),
    )(parts, parts, W1.T, b1.reshape(1, D), W2.T, b2.reshape(1, D),
      W3.T, b3.reshape(1, 1))


def kernel(x, rbf, num_atoms, edge_index_0, W_rbf, b_rbf, W1, b1, W2, b2, W3, b3):
    del num_atoms
    wt = W_rbf.T
    b = b_rbf.reshape(1, D)
    idx4 = edge_index_0.reshape(_K, _NW, _NT, _CH)
    zeros = jnp.zeros((_RPT, D), jnp.float32)
    parts = None
    for k in range(_K):
        sl = slice(k * _ES, (k + 1) * _ES)
        msg = _edge_messages(x[sl], rbf[sl], wt, b)
        parts = _scatter_add(msg, idx4[k],
                             zeros if parts is None else parts,
                             first=parts is None)
    return _mlp(parts, W1, b1, W2, b2, W3, b3)

# --- scband reference (transcript-rebuilt; emitter-appended) ---
"""Pipeline reference for scband-atom-wise-23313082483613 (READ-ONLY COPY).

The authoritative reference and input builder live on the scoring server;
editing this copy changes nothing except your own understanding.
"""

import jax, jax.numpy as jnp
import numpy as np

E = 320000
N = 10000
D = 128
R = 16

def setup_inputs(seed: int = 0) -> dict:
    key = jax.random.key(seed)
    ks = jax.random.split(key, 12)
    x = jax.random.normal(ks[0], (E, D), dtype=jnp.float32)
    rbf = jax.random.normal(ks[1], (E, R), dtype=jnp.float32)
    edge_index_0 = jax.random.randint(ks[2], (E,), 0, N, dtype=jnp.int32)
    # learned params (glorot-ish scaled normals); torch Linear weight is [out, in]
    W_rbf = jax.random.normal(ks[3], (D, R), dtype=jnp.float32) * (2.0 / (D + R)) ** 0.5
    b_rbf = jnp.zeros((D,), dtype=jnp.float32)
    W1 = jax.random.normal(ks[4], (D, D), dtype=jnp.float32) * (2.0 / (D + D)) ** 0.5
    b1 = jnp.zeros((D,), dtype=jnp.float32)
    W2 = jax.random.normal(ks[5], (D, D), dtype=jnp.float32) * (2.0 / (D + D)) ** 0.5
    b2 = jnp.zeros((D,), dtype=jnp.float32)
    W3 = jax.random.normal(ks[6], (1, D), dtype=jnp.float32) * (2.0 / (1 + D)) ** 0.5
    b3 = jnp.zeros((1,), dtype=jnp.float32)
    return {"x": x, "rbf": rbf, "num_atoms": N, "edge_index_0": edge_index_0,
            "W_rbf": W_rbf, "b_rbf": b_rbf, "W1": W1, "b1": b1,
            "W2": W2, "b2": b2, "W3": W3, "b3": b3}

def reference(x, rbf, num_atoms, edge_index_0, W_rbf, b_rbf, W1, b1, W2, b2, W3, b3):
    # rbf filter: Linear(rbf_dim -> in_channels)
    rbf_filter = rbf @ W_rbf.T + b_rbf
    out = rbf_filter * x
    # scatter_add over edges into num_atoms node slots
    segment_ids = edge_index_0 + (num_atoms - num_atoms)
    out = jax.ops.segment_sum(out, segment_ids, num_segments=N)
    # MLP: [Linear, SiLU, Linear, SiLU, Linear]
    out = jax.nn.silu(out @ W1.T + b1)
    out = jax.nn.silu(out @ W2.T + b2)
    out = out @ W3.T + b3
    return out

if __name__ == "__main__":
    import jax
    _d = setup_inputs()
    print(jax.jit(kernel)(*tuple(_d.values())))

</pallas_src>

<mosaic_0001>
#map = affine_map<(d0, d1) -> (0, 0)>
#map1 = affine_map<(d0, d1) -> (0, 0, 0)>
module attributes {stable_mosaic.version = 14 : i64} {
  func.func @k(%arg0: i32, %arg1: i32, %arg2: memref<320000x128xf32, #tpu.memory_space<hbm>>, %arg3: memref<32x125x80xi32, #tpu.memory_space<hbm>>, %arg4: memref<640x128xf32, #tpu.memory_space<hbm>>, %arg5: memref<20480x128xf32, #tpu.memory_space<hbm>>, %arg6: memref<3x80x128xf32, #tpu.memory_space<vmem>>, %arg7: memref<125x80xi32, #tpu.memory_space<vmem>>, %arg8: memref<10240x128xf32, #tpu.memory_space<vmem_shared>>, %arg9: memref<!tpu.dma_semaphore, #tpu.memory_space<semaphore_mem>>, %arg10: memref<!tpu.dma_semaphore, #tpu.memory_space<semaphore_mem>>, %arg11: memref<!tpu.dma_semaphore, #tpu.memory_space<semaphore_mem>>) attributes {dimension_semantics = [#tpu.dimension_semantics<core_parallel>, #tpu.dimension_semantics<subcore_parallel>], iteration_bounds = array<i64: 2, 16>, scalar_prefetch = 0 : i64, scratch_operands = 6 : i64, tpu.core_type = #tpu.core_type<sc_vector_subcore>, window_params = [{transform_indices = #map}, {transform_indices = #map1}, {transform_indices = #map}, {transform_indices = #map}]} {
    %mul3A = arith.constant 16 : i32
    %mul3A_0 = arith.muli %arg0, %mul3A : i32
    %add3A = arith.addi %mul3A_0, %arg1 : i32
    %mul3A_1 = arith.constant 10000 : i32
    %mul3A_2 = arith.muli %add3A, %mul3A_1 : i32
    %add3A_3 = arith.constant 0 : i32
    %add3A_4 = arith.addi %mul3A_2, %add3A_3 : i32
    %dma_start3A = arith.constant 0 : i32
    %dma_start3A_5 = arith.constant 0 : i32
    %dma_start3A_6 = arith.constant 0 : i32
    %dma_start3A_7 = tpu.memref_slice %arg6[%dma_start3A, %dma_start3A_5, %dma_start3A_6] : memref<3x80x128xf32, #tpu.memory_space<vmem>> -> memref<1x80x128xf32, #tpu.memory_space<vmem>>
    %dma_start3A_8 = tpu.memref_squeeze %dma_start3A_7 : memref<1x80x128xf32, #tpu.memory_space<vmem>> -> memref<80x128xf32, #tpu.memory_space<vmem>>
    %dma_start3A_9 = arith.constant 0 : i32
    %dma_start3A_10 = tpu.memref_slice %arg2[%add3A_4, %dma_start3A_9] : memref<320000x128xf32, #tpu.memory_space<hbm>> -> memref<80x128xf32, #tpu.memory_space<hbm>>
    %dma_start3A_11 = arith.constant 0 : i32
    %dma_start3A_12 = arith.constant 0 : i32
    %dma_start3A_13 = tpu.memref_slice %arg6[%dma_start3A, %dma_start3A_11, %dma_start3A_12] : memref<3x80x128xf32, #tpu.memory_space<vmem>> -> memref<1x80x128xf32, #tpu.memory_space<vmem>>
    %dma_start3A_14 = tpu.memref_squeeze %dma_start3A_13 : memref<1x80x128xf32, #tpu.memory_space<vmem>> -> memref<80x128xf32, #tpu.memory_space<vmem>>
    %dma_start3A_15 = arith.constant 0 : i32
    %dma_start3A_16 = tpu.memref_slice %arg2[%add3A_4, %dma_start3A_15] : memref<320000x128xf32, #tpu.memory_space<hbm>> -> memref<80x128xf32, #tpu.memory_space<hbm>>
    tpu.enqueue_dma source(%dma_start3A_16 : memref<80x128xf32, #tpu.memory_space<hbm>>) target(%dma_start3A_14 : memref<80x128xf32, #tpu.memory_space<vmem>>) target_semaphore(%arg9 : memref<!tpu.dma_semaphore, #tpu.memory_space<semaphore_mem>>)
    %add3A_17 = arith.constant 80 : i32
    %add3A_18 = arith.addi %mul3A_2, %add3A_17 : i32
    %dma_start3A_19 = arith.constant 1 : i32
    %dma_start3A_20 = arith.constant 0 : i32
    %dma_start3A_21 = arith.constant 0 : i32
    %dma_start3A_22 = tpu.memref_slice %arg6[%dma_start3A_19, %dma_start3A_20, %dma_start3A_21] : memref<3x80x128xf32, #tpu.memory_space<vmem>> -> memref<1x80x128xf32, #tpu.memory_space<vmem>>
    %dma_start3A_23 = tpu.memref_squeeze %dma_start3A_22 : memref<1x80x128xf32, #tpu.memory_space<vmem>> -> memref<80x128xf32, #tpu.memory_space<vmem>>
    %dma_start3A_24 = arith.constant 0 : i32
    %dma_start3A_25 = tpu.memref_slice %arg2[%add3A_18, %dma_start3A_24] : memref<320000x128xf32, #tpu.memory_space<hbm>> -> memref<80x128xf32, #tpu.memory_space<hbm>>
    %dma_start3A_26 = arith.constant 0 : i32
    %dma_start3A_27 = arith.constant 0 : i32
    %dma_start3A_28 = tpu.memref_slice %arg6[%dma_start3A_19, %dma_start3A_26, %dma_start3A_27] : memref<3x80x128xf32, #tpu.memory_space<vmem>> -> memref<1x80x128xf32, #tpu.memory_space<vmem>>
    %dma_start3A_29 = tpu.memref_squeeze %dma_start3A_28 : memref<1x80x128xf32, #tpu.memory_space<vmem>> -> memref<80x128xf32, #tpu.memory_space<vmem>>
    %dma_start3A_30 = arith.constant 0 : i32
    %dma_start3A_31 = tpu.memref_slice %arg2[%add3A_18, %dma_start3A_30] : memref<320000x128xf32, #tpu.memory_space<hbm>> -> memref<80x128xf32, #tpu.memory_space<hbm>>
    tpu.enqueue_dma source(%dma_start3A_31 : memref<80x128xf32, #tpu.memory_space<hbm>>) target(%dma_start3A_29 : memref<80x128xf32, #tpu.memory_space<vmem>>) target_semaphore(%arg10 : memref<!tpu.dma_semaphore, #tpu.memory_space<semaphore_mem>>)
    %add3A_32 = arith.constant 160 : i32
    %add3A_33 = arith.addi %mul3A_2, %add3A_32 : i32
    %dma_start3A_34 = arith.constant 2 : i32
    %dma_start3A_35 = arith.constant 0 : i32
    %dma_start3A_36 = arith.constant 0 : i32
    %dma_start3A_37 = tpu.memref_slice %arg6[%dma_start3A_34, %dma_start3A_35, %dma_start3A_36] : memref<3x80x128xf32, #tpu.memory_space<vmem>> -> memref<1x80x128xf32, #tpu.memory_space<vmem>>
    %dma_start3A_38 = tpu.memref_squeeze %dma_start3A_37 : memref<1x80x128xf32, #tpu.memory_space<vmem>> -> memref<80x128xf32, #tpu.memory_space<vmem>>
    %dma_start3A_39 = arith.constant 0 : i32
    %dma_start3A_40 = tpu.memref_slice %arg2[%add3A_33, %dma_start3A_39] : memref<320000x128xf32, #tpu.memory_space<hbm>> -> memref<80x128xf32, #tpu.memory_space<hbm>>
    %dma_start3A_41 = arith.constant 0 : i32
    %dma_start3A_42 = arith.constant 0 : i32
    %dma_start3A_43 = tpu.memref_slice %arg6[%dma_start3A_34, %dma_start3A_41, %dma_start3A_42] : memref<3x80x128xf32, #tpu.memory_space<vmem>> -> memref<1x80x128xf32, #tpu.memory_space<vmem>>
    %dma_start3A_44 = tpu.memref_squeeze %dma_start3A_43 : memref<1x80x128xf32, #tpu.memory_space<vmem>> -> memref<80x128xf32, #tpu.memory_space<vmem>>
    %dma_start3A_45 = arith.constant 0 : i32
    %dma_start3A_46 = tpu.memref_slice %arg2[%add3A_33, %dma_start3A_45] : memref<320000x128xf32, #tpu.memory_space<hbm>> -> memref<80x128xf32, #tpu.memory_space<hbm>>
    tpu.enqueue_dma source(%dma_start3A_46 : memref<80x128xf32, #tpu.memory_space<hbm>>) target(%dma_start3A_44 : memref<80x128xf32, #tpu.memory_space<vmem>>) target_semaphore(%arg11 : memref<!tpu.dma_semaphore, #tpu.memory_space<semaphore_mem>>)
    %mul3A_47 = arith.constant 640 : i32
    %mul3A_48 = arith.muli %arg1, %mul3A_47 : i32
    "tpu.region"() ({
      %run_scoped3A_90 = tpu.sem_alloc : memref<!tpu.dma_semaphore, #tpu.memory_space<semaphore_mem>>
      %dma_start3A_91 = arith.constant 0 : i32
      %dma_start3A_92 = tpu.memref_slice %arg8[%mul3A_48, %dma_start3A_91] : memref<10240x128xf32, #tpu.memory_space<vmem_shared>> -> memref<640x128xf32, #tpu.memory_space<vmem_shared>>
      tpu.enqueue_dma source(%arg4 : memref<640x128xf32, #tpu.memory_space<hbm>>) target(%dma_start3A_92 : memref<640x128xf32, #tpu.memory_space<vmem_shared>>) target_semaphore(%run_scoped3A_90 : memref<!tpu.dma_semaphore, #tpu.memory_space<semaphore_mem>>)
      %dma_wait3A_93 = arith.constant 0 : i32
      %dma_wait3A_94 = tpu.memref_slice %arg8[%mul3A_48, %dma_wait3A_93] : memref<10240x128xf32, #tpu.memory_space<vmem_shared>> -> memref<640x128xf32, #tpu.memory_space<vmem_shared>>
      tpu.wait_dma2 semaphore(%run_scoped3A_90 : memref<!tpu.dma_semaphore, #tpu.memory_space<semaphore_mem>>) src(%arg4 : memref<640x128xf32, #tpu.memory_space<hbm>>) dst(%dma_wait3A_94 : memref<640x128xf32, #tpu.memory_space<vmem_shared>>)
      tpu.yield
    }) : () -> ()
    "tpu.region"() ({
      %run_scoped3A_90 = tpu.sem_alloc : memref<!tpu.dma_semaphore, #tpu.memory_space<semaphore_mem>>
      %dma_start3A_91 = arith.constant 0 : i32
      %dma_start3A_92 = arith.constant 0 : i32
      %dma_start3A_93 = tpu.memref_slice %arg3[%add3A, %dma_start3A_91, %dma_start3A_92] : memref<32x125x80xi32, #tpu.memory_space<hbm>> -> memref<1x125x80xi32, #tpu.memory_space<hbm>>
      %dma_start3A_94 = tpu.memref_squeeze %dma_start3A_93 : memref<1x125x80xi32, #tpu.memory_space<hbm>> -> memref<125x80xi32, #tpu.memory_space<hbm>>
      %dma_start3A_95 = arith.constant 0 : i32
      %dma_start3A_96 = arith.constant 0 : i32
      %dma_start3A_97 = tpu.memref_slice %arg3[%add3A, %dma_start3A_95, %dma_start3A_96] : memref<32x125x80xi32, #tpu.memory_space<hbm>> -> memref<1x125x80xi32, #tpu.memory_space<hbm>>
      %dma_start3A_98 = tpu.memref_squeeze %dma_start3A_97 : memref<1x125x80xi32, #tpu.memory_space<hbm>> -> memref<125x80xi32, #tpu.memory_space<hbm>>
      tpu.enqueue_dma source(%dma_start3A_98 : memref<125x80xi32, #tpu.memory_space<hbm>>) target(%arg7 : memref<125x80xi32, #tpu.memory_space<vmem>>) target_semaphore(%run_scoped3A_90 : memref<!tpu.dma_semaphore, #tpu.memory_space<semaphore_mem>>)
      %dma_wait3A_99 = arith.constant 0 : i32
      %dma_wait3A_100 = arith.constant 0 : i32
      %dma_wait3A_101 = tpu.memref_slice %arg3[%add3A, %dma_wait3A_99, %dma_wait3A_100] : memref<32x125x80xi32, #tpu.memory_space<hbm>> -> memref<1x125x80xi32, #tpu.memory_space<hbm>>
      %dma_wait3A_102 = tpu.memref_squeeze %dma_wait3A_101 : memref<1x125x80xi32, #tpu.memory_space<hbm>> -> memref<125x80xi32, #tpu.memory_space<hbm>>
      %dma_wait3A_103 = arith.constant 0 : i32
      %dma_wait3A_104 = arith.constant 0 : i32
      %dma_wait3A_105 = tpu.memref_slice %arg3[%add3A, %dma_wait3A_103, %dma_wait3A_104] : memref<32x125x80xi32, #tpu.memory_space<hbm>> -> memref<1x125x80xi32, #tpu.memory_space<hbm>>
      %dma_wait3A_106 = tpu.memref_squeeze %dma_wait3A_105 : memref<1x125x80xi32, #tpu.memory_space<hbm>> -> memref<125x80xi32, #tpu.memory_space<hbm>>
      tpu.wait_dma2 semaphore(%run_scoped3A_90 : memref<!tpu.dma_semaphore, #tpu.memory_space<semaphore_mem>>) src(%dma_wait3A_106 : memref<125x80xi32, #tpu.memory_space<hbm>>) dst(%arg7 : memref<125x80xi32, #tpu.memory_space<vmem>>)
      tpu.yield
    }) : () -> ()
    %barrier3A = arith.constant 0 : index
    tpu.barrier barrier_id(%barrier3A)
    %scan3A = arith.constant 0 : i32
    %scan3A_49 = arith.constant 0 : i32
    %scan3A_50 = arith.constant 41 : i32
    %scan3A_51 = arith.addi %scan3A_49, %scan3A_50 : i32
    %scan3A_52 = arith.constant 1 : i32
    scf.for %scan3A_90 = %scan3A_49 to %scan3A_51 step %scan3A_52  : i32 {
      %mul3A_91 = arith.constant 3 : i32
      %mul3A_92 = arith.muli %mul3A_91, %scan3A_90 : i32
      %dma_wait3A_93 = arith.constant 0 : i32
      %dma_wait3A_94 = arith.constant 0 : i32
      %dma_wait3A_95 = arith.constant 0 : i32
      %dma_wait3A_96 = tpu.memref_slice %arg6[%dma_wait3A_93, %dma_wait3A_94, %dma_wait3A_95] : memref<3x80x128xf32, #tpu.memory_space<vmem>> -> memref<1x80x128xf32, #tpu.memory_space<vmem>>
      %dma_wait3A_97 = tpu.memref_squeeze %dma_wait3A_96 : memref<1x80x128xf32, #tpu.memory_space<vmem>> -> memref<80x128xf32, #tpu.memory_space<vmem>>
      %dma_wait3A_98 = arith.constant 0 : i32
      %dma_wait3A_99 = tpu.memref_slice %arg2[%mul3A_2, %dma_wait3A_98] : memref<320000x128xf32, #tpu.memory_space<hbm>> -> memref<80x128xf32, #tpu.memory_space<hbm>>
      %dma_wait3A_100 = arith.constant 0 : i32
      %dma_wait3A_101 = arith.constant 0 : i32
      %dma_wait3A_102 = tpu.memref_slice %arg6[%dma_wait3A_93, %dma_wait3A_100, %dma_wait3A_101] : memref<3x80x128xf32, #tpu.memory_space<vmem>> -> memref<1x80x128xf32, #tpu.memory_space<vmem>>
      %dma_wait3A_103 = tpu.memref_squeeze %dma_wait3A_102 : memref<1x80x128xf32, #tpu.memory_space<vmem>> -> memref<80x128xf32, #tpu.memory_space<vmem>>
      %dma_wait3A_104 = arith.constant 0 : i32
      %dma_wait3A_105 = tpu.memref_slice %arg2[%mul3A_2, %dma_wait3A_104] : memref<320000x128xf32, #tpu.memory_space<hbm>> -> memref<80x128xf32, #tpu.memory_space<hbm>>
      tpu.wait_dma2 semaphore(%arg9 : memref<!tpu.dma_semaphore, #tpu.memory_space<semaphore_mem>>) src(%dma_wait3A_105 : memref<80x128xf32, #tpu.memory_space<hbm>>) dst(%dma_wait3A_103 : memref<80x128xf32, #tpu.memory_space<vmem>>)
      %add3A_106 = arith.constant 0 : i32
      %add3A_107 = arith.addi %mul3A_92, %add3A_106 : i32
      %run_scoped3A_108 = arith.constant 0 : i32
      "tpu.region"() ({
        %run_scoped3A_165 = tpu.sem_alloc : memref<!tpu.dma_semaphore, #tpu.memory_space<semaphore_mem>>
        %dma_start3A_166 = arith.constant 0 : i32
        %dma_start3A_167 = arith.constant 0 : i32
        %dma_start3A_168 = tpu.memref_slice %arg6[%run_scoped3A_108, %dma_start3A_166, %dma_start3A_167] : memref<3x80x128xf32, #tpu.memory_space<vmem>> -> memref<1x80x128xf32, #tpu.memory_space<vmem>>
        %dma_start3A_169 = tpu.memref_squeeze %dma_start3A_168 : memref<1x80x128xf32, #tpu.memory_space<vmem>> -> memref<80x128xf32, #tpu.memory_space<vmem>>
        %dma_start3A_170 = arith.constant 0 : i32
        %dma_start3A_171 = tpu.memref_slice %arg7[%add3A_107, %dma_start3A_170] : memref<125x80xi32, #tpu.memory_space<vmem>> -> memref<1x80xi32, #tpu.memory_space<vmem>>
        %dma_start3A_172 = tpu.memref_squeeze %dma_start3A_171 : memref<1x80xi32, #tpu.memory_space<vmem>> -> memref<80xi32, #tpu.memory_space<vmem>>
        %dma_start3A_173 = arith.constant 0 : i32
        %dma_start3A_174 = arith.constant 0 : i32
        %dma_start3A_175 = tpu.memref_slice %arg8[%dma_start3A_173, %dma_start3A_174] : memref<10240x128xf32, #tpu.memory_space<vmem_shared>> -> memref<10240x128xf32, #tpu.memory_space<vmem_shared>>
        tpu.enqueue_indirect_dma source(%dma_start3A_169 : memref<80x128xf32, #tpu.memory_space<vmem>>) target(%dma_start3A_175 : memref<10240x128xf32, #tpu.memory_space<vmem_shared>>) offsets(%dma_start3A_172 : memref<80xi32, #tpu.memory_space<vmem>>) semaphore(%run_scoped3A_165 : memref<!tpu.dma_semaphore, #tpu.memory_space<semaphore_mem>>) {add = true}
        %dma_wait3A_176 = arith.constant 0 : i32
        %dma_wait3A_177 = arith.constant 0 : i32
        %dma_wait3A_178 = tpu.memref_slice %arg6[%run_scoped3A_108, %dma_wait3A_176, %dma_wait3A_177] : memref<3x80x128xf32, #tpu.memory_space<vmem>> -> memref<1x80x128xf32, #tpu.memory_space<vmem>>
        %dma_wait3A_179 = tpu.memref_squeeze %dma_wait3A_178 : memref<1x80x128xf32, #tpu.memory_space<vmem>> -> memref<80x128xf32, #tpu.memory_space<vmem>>
        %dma_wait3A_180 = arith.constant 0 : i32
        %dma_wait3A_181 = tpu.memref_slice %arg7[%add3A_107, %dma_wait3A_180] : memref<125x80xi32, #tpu.memory_space<vmem>> -> memref<1x80xi32, #tpu.memory_space<vmem>>
        %dma_wait3A_182 = tpu.memref_squeeze %dma_wait3A_181 : memref<1x80xi32, #tpu.memory_space<vmem>> -> memref<80xi32, #tpu.memory_space<vmem>>
        %dma_wait3A_183 = arith.constant 0 : i32
        %dma_wait3A_184 = arith.constant 0 : i32
        %dma_wait3A_185 = tpu.memref_slice %arg8[%dma_wait3A_183, %dma_wait3A_184] : memref<10240x128xf32, #tpu.memory_space<vmem_shared>> -> memref<10240x128xf32, #tpu.memory_space<vmem_shared>>
        tpu.wait_indirect_dma semaphore(%run_scoped3A_165 : memref<!tpu.dma_semaphore, #tpu.memory_space<semaphore_mem>>) src(%dma_wait3A_179 : memref<80x128xf32, #tpu.memory_space<vmem>>) dst(%dma_wait3A_185 : memref<10240x128xf32, #tpu.memory_space<vmem_shared>>)
        tpu.yield
      }) : () -> ()
      %add3A_109 = arith.constant 0 : i32
      %add3A_110 = arith.addi %mul3A_92, %add3A_109 : i32
      %add3A_111 = arith.constant 3 : i32
      %add3A_112 = arith.addi %add3A_110, %add3A_111 : i32
      %lt3A = arith.constant 125 : i32
      %lt3A_113 = arith.cmpi slt, %add3A_112, %lt3A : i32
      %convert_element_type3A = arith.extui %lt3A_113 : i1 to i32
      %cond3A = arith.constant 0 : i32
      %cond3A_114 = arith.cmpi ne, %convert_element_type3A, %cond3A : i32
      scf.if %cond3A_114 {
        %add3A_165 = arith.constant 0 : i32
        %add3A_166 = arith.addi %mul3A_92, %add3A_165 : i32
        %add3A_167 = arith.constant 3 : i32
        %add3A_168 = arith.addi %add3A_166, %add3A_167 : i32
        %mul3A_169 = arith.constant 80 : i32
        %mul3A_170 = arith.muli %add3A_168, %mul3A_169 : i32
        %add3A_171 = arith.addi %mul3A_2, %mul3A_170 : i32
        %dma_start3A_172 = arith.constant 0 : i32
        %dma_start3A_173 = arith.constant 0 : i32
        %dma_start3A_174 = arith.constant 0 : i32
        %dma_start3A_175 = tpu.memref_slice %arg6[%dma_start3A_172, %dma_start3A_173, %dma_start3A_174] : memref<3x80x128xf32, #tpu.memory_space<vmem>> -> memref<1x80x128xf32, #tpu.memory_space<vmem>>
        %dma_start3A_176 = tpu.memref_squeeze %dma_start3A_175 : memref<1x80x128xf32, #tpu.memory_space<vmem>> -> memref<80x128xf32, #tpu.memory_space<vmem>>
        %dma_start3A_177 = arith.constant 0 : i32
        %dma_start3A_178 = tpu.memref_slice %arg2[%add3A_171, %dma_start3A_177] : memref<320000x128xf32, #tpu.memory_space<hbm>> -> memref<80x128xf32, #tpu.memory_space<hbm>>
        %dma_start3A_179 = arith.constant 0 : i32
        %dma_start3A_180 = arith.constant 0 : i32
        %dma_start3A_181 = tpu.memref_slice %arg6[%dma_start3A_172, %dma_start3A_179, %dma_start3A_180] : memref<3x80x128xf32, #tpu.memory_space<vmem>> -> memref<1x80x128xf32, #tpu.memory_space<vmem>>
        %dma_start3A_182 = tpu.memref_squeeze %dma_start3A_181 : memref<1x80x128xf32, #tpu.memory_space<vmem>> -> memref<80x128xf32, #tpu.memory_space<vmem>>
        %dma_start3A_183 = arith.constant 0 : i32
        %dma_start3A_184 = tpu.memref_slice %arg2[%add3A_171, %dma_start3A_183] : memref<320000x128xf32, #tpu.memory_space<hbm>> -> memref<80x128xf32, #tpu.memory_space<hbm>>
        tpu.enqueue_dma source(%dma_start3A_184 : memref<80x128xf32, #tpu.memory_space<hbm>>) target(%dma_start3A_182 : memref<80x128xf32, #tpu.memory_space<vmem>>) target_semaphore(%arg9 : memref<!tpu.dma_semaphore, #tpu.memory_space<semaphore_mem>>)
      } else {
      }
      %dma_wait3A_115 = arith.constant 1 : i32
      %dma_wait3A_116 = arith.constant 0 : i32
      %dma_wait3A_117 = arith.constant 0 : i32
      %dma_wait3A_118 = tpu.memref_slice %arg6[%dma_wait3A_115, %dma_wait3A_116, %dma_wait3A_117] : memref<3x80x128xf32, #tpu.memory_space<vmem>> -> memref<1x80x128xf32, #tpu.memory_space<vmem>>
      %dma_wait3A_119 = tpu.memref_squeeze %dma_wait3A_118 : memref<1x80x128xf32, #tpu.memory_space<vmem>> -> memref<80x128xf32, #tpu.memory_space<vmem>>
      %dma_wait3A_120 = arith.constant 0 : i32
      %dma_wait3A_121 = tpu.memref_slice %arg2[%mul3A_2, %dma_wait3A_120] : memref<320000x128xf32, #tpu.memory_space<hbm>> -> memref<80x128xf32, #tpu.memory_space<hbm>>
      %dma_wait3A_122 = arith.constant 0 : i32
      %dma_wait3A_123 = arith.constant 0 : i32
      %dma_wait3A_124 = tpu.memref_slice %arg6[%dma_wait3A_115, %dma_wait3A_122, %dma_wait3A_123] : memref<3x80x128xf32, #tpu.memory_space<vmem>> -> memref<1x80x128xf32, #tpu.memory_space<vmem>>
      %dma_wait3A_125 = tpu.memref_squeeze %dma_wait3A_124 : memref<1x80x128xf32, #tpu.memory_space<vmem>> -> memref<80x128xf32, #tpu.memory_space<vmem>>
      %dma_wait3A_126 = arith.constant 0 : i32
      %dma_wait3A_127 = tpu.memref_slice %arg2[%mul3A_2, %dma_wait3A_126] : memref<320000x128xf32, #tpu.memory_space<hbm>> -> memref<80x128xf32, #tpu.memory_space<hbm>>
      tpu.wait_dma2 semaphore(%arg10 : memref<!tpu.dma_semaphore, #tpu.memory_space<semaphore_mem>>) src(%dma_wait3A_127 : memref<80x128xf32, #tpu.memory_space<hbm>>) dst(%dma_wait3A_125 : memref<80x128xf32, #tpu.memory_space<vmem>>)
      %add3A_128 = arith.constant 1 : i32
      %add3A_129 = arith.addi %mul3A_92, %add3A_128 : i32
      %run_scoped3A_130 = arith.constant 1 : i32
      "tpu.region"() ({
        %run_scoped3A_165 = tpu.sem_alloc : memref<!tpu.dma_semaphore, #tpu.memory_space<semaphore_mem>>
        %dma_start3A_166 = arith.constant 0 : i32
        %dma_start3A_167 = arith.constant 0 : i32
        %dma_start3A_168 = tpu.memref_slice %arg6[%run_scoped3A_130, %dma_start3A_166, %dma_start3A_167] : memref<3x80x128xf32, #tpu.memory_space<vmem>> -> memref<1x80x128xf32, #tpu.memory_space<vmem>>
        %dma_start3A_169 = tpu.memref_squeeze %dma_start3A_168 : memref<1x80x128xf32, #tpu.memory_space<vmem>> -> memref<80x128xf32, #tpu.memory_space<vmem>>
        %dma_start3A_170 = arith.constant 0 : i32
        %dma_start3A_171 = tpu.memref_slice %arg7[%add3A_129, %dma_start3A_170] : memref<125x80xi32, #tpu.memory_space<vmem>> -> memref<1x80xi32, #tpu.memory_space<vmem>>
        %dma_start3A_172 = tpu.memref_squeeze %dma_start3A_171 : memref<1x80xi32, #tpu.memory_space<vmem>> -> memref<80xi32, #tpu.memory_space<vmem>>
        %dma_start3A_173 = arith.constant 0 : i32
        %dma_start3A_174 = arith.constant 0 : i32
        %dma_start3A_175 = tpu.memref_slice %arg8[%dma_start3A_173, %dma_start3A_174] : memref<10240x128xf32, #tpu.memory_space<vmem_shared>> -> memref<10240x128xf32, #tpu.memory_space<vmem_shared>>
        tpu.enqueue_indirect_dma source(%dma_start3A_169 : memref<80x128xf32, #tpu.memory_space<vmem>>) target(%dma_start3A_175 : memref<10240x128xf32, #tpu.memory_space<vmem_shared>>) offsets(%dma_start3A_172 : memref<80xi32, #tpu.memory_space<vmem>>) semaphore(%run_scoped3A_165 : memref<!tpu.dma_semaphore, #tpu.memory_space<semaphore_mem>>) {add = true}
        %dma_wait3A_176 = arith.constant 0 : i32
        %dma_wait3A_177 = arith.constant 0 : i32
        %dma_wait3A_178 = tpu.memref_slice %arg6[%run_scoped3A_130, %dma_wait3A_176, %dma_wait3A_177] : memref<3x80x128xf32, #tpu.memory_space<vmem>> -> memref<1x80x128xf32, #tpu.memory_space<vmem>>
        %dma_wait3A_179 = tpu.memref_squeeze %dma_wait3A_178 : memref<1x80x128xf32, #tpu.memory_space<vmem>> -> memref<80x128xf32, #tpu.memory_space<vmem>>
        %dma_wait3A_180 = arith.constant 0 : i32
        %dma_wait3A_181 = tpu.memref_slice %arg7[%add3A_129, %dma_wait3A_180] : memref<125x80xi32, #tpu.memory_space<vmem>> -> memref<1x80xi32, #tpu.memory_space<vmem>>
        %dma_wait3A_182 = tpu.memref_squeeze %dma_wait3A_181 : memref<1x80xi32, #tpu.memory_space<vmem>> -> memref<80xi32, #tpu.memory_space<vmem>>
        %dma_wait3A_183 = arith.constant 0 : i32
        %dma_wait3A_184 = arith.constant 0 : i32
        %dma_wait3A_185 = tpu.memref_slice %arg8[%dma_wait3A_183, %dma_wait3A_184] : memref<10240x128xf32, #tpu.memory_space<vmem_shared>> -> memref<10240x128xf32, #tpu.memory_space<vmem_shared>>
        tpu.wait_indirect_dma semaphore(%run_scoped3A_165 : memref<!tpu.dma_semaphore, #tpu.memory_space<semaphore_mem>>) src(%dma_wait3A_179 : memref<80x128xf32, #tpu.memory_space<vmem>>) dst(%dma_wait3A_185 : memref<10240x128xf32, #tpu.memory_space<vmem_shared>>)
        tpu.yield
      }) : () -> ()
      %add3A_131 = arith.constant 1 : i32
      %add3A_132 = arith.addi %mul3A_92, %add3A_131 : i32
      %add3A_133 = arith.constant 3 : i32
      %add3A_134 = arith.addi %add3A_132, %add3A_133 : i32
      %lt3A_135 = arith.constant 125 : i32
      %lt3A_136 = arith.cmpi slt, %add3A_134, %lt3A_135 : i32
      %convert_element_type3A_137 = arith.extui %lt3A_136 : i1 to i32
      %cond3A_138 = arith.constant 0 : i32
      %cond3A_139 = arith.cmpi ne, %convert_element_type3A_137, %cond3A_138 : i32
      scf.if %cond3A_139 {
        %add3A_165 = arith.constant 1 : i32
        %add3A_166 = arith.addi %mul3A_92, %add3A_165 : i32
        %add3A_167 = arith.constant 3 : i32
        %add3A_168 = arith.addi %add3A_166, %add3A_167 : i32
        %mul3A_169 = arith.constant 80 : i32
        %mul3A_170 = arith.muli %add3A_168, %mul3A_169 : i32
        %add3A_171 = arith.addi %mul3A_2, %mul3A_170 : i32
        %dma_start3A_172 = arith.constant 1 : i32
        %dma_start3A_173 = arith.constant 0 : i32
        %dma_start3A_174 = arith.constant 0 : i32
        %dma_start3A_175 = tpu.memref_slice %arg6[%dma_start3A_172, %dma_start3A_173, %dma_start3A_174] : memref<3x80x128xf32, #tpu.memory_space<vmem>> -> memref<1x80x128xf32, #tpu.memory_space<vmem>>
        %dma_start3A_176 = tpu.memref_squeeze %dma_start3A_175 : memref<1x80x128xf32, #tpu.memory_space<vmem>> -> memref<80x128xf32, #tpu.memory_space<vmem>>
        %dma_start3A_177 = arith.constant 0 : i32
        %dma_start3A_178 = tpu.memref_slice %arg2[%add3A_171, %dma_start3A_177] : memref<320000x128xf32, #tpu.memory_space<hbm>> -> memref<80x128xf32, #tpu.memory_space<hbm>>
        %dma_start3A_179 = arith.constant 0 : i32
        %dma_start3A_180 = arith.constant 0 : i32
        %dma_start3A_181 = tpu.memref_slice %arg6[%dma_start3A_172, %dma_start3A_179, %dma_start3A_180] : memref<3x80x128xf32, #tpu.memory_space<vmem>> -> memref<1x80x128xf32, #tpu.memory_space<vmem>>
        %dma_start3A_182 = tpu.memref_squeeze %dma_start3A_181 : memref<1x80x128xf32, #tpu.memory_space<vmem>> -> memref<80x128xf32, #tpu.memory_space<vmem>>
        %dma_start3A_183 = arith.constant 0 : i32
        %dma_start3A_184 = tpu.memref_slice %arg2[%add3A_171, %dma_start3A_183] : memref<320000x128xf32, #tpu.memory_space<hbm>> -> memref<80x128xf32, #tpu.memory_space<hbm>>
        tpu.enqueue_dma source(%dma_start3A_184 : memref<80x128xf32, #tpu.memory_space<hbm>>) target(%dma_start3A_182 : memref<80x128xf32, #tpu.memory_space<vmem>>) target_semaphore(%arg10 : memref<!tpu.dma_semaphore, #tpu.memory_space<semaphore_mem>>)
      } else {
      }
      %dma_wait3A_140 = arith.constant 2 : i32
      %dma_wait3A_141 = arith.constant 0 : i32
      %dma_wait3A_142 = arith.constant 0 : i32
      %dma_wait3A_143 = tpu.memref_slice %arg6[%dma_wait3A_140, %dma_wait3A_141, %dma_wait3A_142] : memref<3x80x128xf32, #tpu.memory_space<vmem>> -> memref<1x80x128xf32, #tpu.memory_space<vmem>>
      %dma_wait3A_144 = tpu.memref_squeeze %dma_wait3A_143 : memref<1x80x128xf32, #tpu.memory_space<vmem>> -> memref<80x128xf32, #tpu.memory_space<vmem>>
      %dma_wait3A_145 = arith.constant 0 : i32
      %dma_wait3A_146 = tpu.memref_slice %arg2[%mul3A_2, %dma_wait3A_145] : memref<320000x128xf32, #tpu.memory_space<hbm>> -> memref<80x128xf32, #tpu.memory_space<hbm>>
      %dma_wait3A_147 = arith.constant 0 : i32
      %dma_wait3A_148 = arith.constant 0 : i32
      %dma_wait3A_149 = tpu.memref_slice %arg6[%dma_wait3A_140, %dma_wait3A_147, %dma_wait3A_148] : memref<3x80x128xf32, #tpu.memory_space<vmem>> -> memref<1x80x128xf32, #tpu.memory_space<vmem>>
      %dma_wait3A_150 = tpu.memref_squeeze %dma_wait3A_149 : memref<1x80x128xf32, #tpu.memory_space<vmem>> -> memref<80x128xf32, #tpu.memory_space<vmem>>
      %dma_wait3A_151 = arith.constant 0 : i32
      %dma_wait3A_152 = tpu.memref_slice %arg2[%mul3A_2, %dma_wait3A_151] : memref<320000x128xf32, #tpu.memory_space<hbm>> -> memref<80x128xf32, #tpu.memory_space<hbm>>
      tpu.wait_dma2 semaphore(%arg11 : memref<!tpu.dma_semaphore, #tpu.memory_space<semaphore_mem>>) src(%dma_wait3A_152 : memref<80x128xf32, #tpu.memory_space<hbm>>) dst(%dma_wait3A_150 : memref<80x128xf32, #tpu.memory_space<vmem>>)
      %add3A_153 = arith.constant 2 : i32
      %add3A_154 = arith.addi %mul3A_92, %add3A_153 : i32
      %run_scoped3A_155 = arith.constant 2 : i32
      "tpu.region"() ({
        %run_scoped3A_165 = tpu.sem_alloc : memref<!tpu.dma_semaphore, #tpu.memory_space<semaphore_mem>>
        %dma_start3A_166 = arith.constant 0 : i32
        %dma_start3A_167 = arith.constant 0 : i32
        %dma_start3A_168 = tpu.memref_slice %arg6[%run_scoped3A_155, %dma_start3A_166, %dma_start3A_167] : memref<3x80x128xf32, #tpu.memory_space<vmem>> -> memref<1x80x128xf32, #tpu.memory_space<vmem>>
        %dma_start3A_169 = tpu.memref_squeeze %dma_start3A_168 : memref<1x80x128xf32, #tpu.memory_space<vmem>> -> memref<80x128xf32, #tpu.memory_space<vmem>>
        %dma_start3A_170 = arith.constant 0 : i32
        %dma_start3A_171 = tpu.memref_slice %arg7[%add3A_154, %dma_start3A_170] : memref<125x80xi32, #tpu.memory_space<vmem>> -> memref<1x80xi32, #tpu.memory_space<vmem>>
        %dma_start3A_172 = tpu.memref_squeeze %dma_start3A_171 : memref<1x80xi32, #tpu.memory_space<vmem>> -> memref<80xi32, #tpu.memory_space<vmem>>
        %dma_start3A_173 = arith.constant 0 : i32
        %dma_start3A_174 = arith.constant 0 : i32
        %dma_start3A_175 = tpu.memref_slice %arg8[%dma_start3A_173, %dma_start3A_174] : memref<10240x128xf32, #tpu.memory_space<vmem_shared>> -> memref<10240x128xf32, #tpu.memory_space<vmem_shared>>
        tpu.enqueue_indirect_dma source(%dma_start3A_169 : memref<80x128xf32, #tpu.memory_space<vmem>>) target(%dma_start3A_175 : memref<10240x128xf32, #tpu.memory_space<vmem_shared>>) offsets(%dma_start3A_172 : memref<80xi32, #tpu.memory_space<vmem>>) semaphore(%run_scoped3A_165 : memref<!tpu.dma_semaphore, #tpu.memory_space<semaphore_mem>>) {add = true}
        %dma_wait3A_176 = arith.constant 0 : i32
        %dma_wait3A_177 = arith.constant 0 : i32
        %dma_wait3A_178 = tpu.memref_slice %arg6[%run_scoped3A_155, %dma_wait3A_176, %dma_wait3A_177] : memref<3x80x128xf32, #tpu.memory_space<vmem>> -> memref<1x80x128xf32, #tpu.memory_space<vmem>>
        %dma_wait3A_179 = tpu.memref_squeeze %dma_wait3A_178 : memref<1x80x128xf32, #tpu.memory_space<vmem>> -> memref<80x128xf32, #tpu.memory_space<vmem>>
        %dma_wait3A_180 = arith.constant 0 : i32
        %dma_wait3A_181 = tpu.memref_slice %arg7[%add3A_154, %dma_wait3A_180] : memref<125x80xi32, #tpu.memory_space<vmem>> -> memref<1x80xi32, #tpu.memory_space<vmem>>
        %dma_wait3A_182 = tpu.memref_squeeze %dma_wait3A_181 : memref<1x80xi32, #tpu.memory_space<vmem>> -> memref<80xi32, #tpu.memory_space<vmem>>
        %dma_wait3A_183 = arith.constant 0 : i32
        %dma_wait3A_184 = arith.constant 0 : i32
        %dma_wait3A_185 = tpu.memref_slice %arg8[%dma_wait3A_183, %dma_wait3A_184] : memref<10240x128xf32, #tpu.memory_space<vmem_shared>> -> memref<10240x128xf32, #tpu.memory_space<vmem_shared>>
        tpu.wait_indirect_dma semaphore(%run_scoped3A_165 : memref<!tpu.dma_semaphore, #tpu.memory_space<semaphore_mem>>) src(%dma_wait3A_179 : memref<80x128xf32, #tpu.memory_space<vmem>>) dst(%dma_wait3A_185 : memref<10240x128xf32, #tpu.memory_space<vmem_shared>>)
        tpu.yield
      }) : () -> ()
      %add3A_156 = arith.constant 2 : i32
      %add3A_157 = arith.addi %mul3A_92, %add3A_156 : i32
      %add3A_158 = arith.constant 3 : i32
      %add3A_159 = arith.addi %add3A_157, %add3A_158 : i32
      %lt3A_160 = arith.constant 125 : i32
      %lt3A_161 = arith.cmpi slt, %add3A_159, %lt3A_160 : i32
      %convert_element_type3A_162 = arith.extui %lt3A_161 : i1 to i32
      %cond3A_163 = arith.constant 0 : i32
      %cond3A_164 = arith.cmpi ne, %convert_element_type3A_162, %cond3A_163 : i32
      scf.if %cond3A_164 {
        %add3A_165 = arith.constant 2 : i32
        %add3A_166 = arith.addi %mul3A_92, %add3A_165 : i32
        %add3A_167 = arith.constant 3 : i32
        %add3A_168 = arith.addi %add3A_166, %add3A_167 : i32
        %mul3A_169 = arith.constant 80 : i32
        %mul3A_170 = arith.muli %add3A_168, %mul3A_169 : i32
        %add3A_171 = arith.addi %mul3A_2, %mul3A_170 : i32
        %dma_start3A_172 = arith.constant 2 : i32
        %dma_start3A_173 = arith.constant 0 : i32
        %dma_start3A_174 = arith.constant 0 : i32
        %dma_start3A_175 = tpu.memref_slice %arg6[%dma_start3A_172, %dma_start3A_173, %dma_start3A_174] : memref<3x80x128xf32, #tpu.memory_space<vmem>> -> memref<1x80x128xf32, #tpu.memory_space<vmem>>
        %dma_start3A_176 = tpu.memref_squeeze %dma_start3A_175 : memref<1x80x128xf32, #tpu.memory_space<vmem>> -> memref<80x128xf32, #tpu.memory_space<vmem>>
        %dma_start3A_177 = arith.constant 0 : i32
        %dma_start3A_178 = tpu.memref_slice %arg2[%add3A_171, %dma_start3A_177] : memref<320000x128xf32, #tpu.memory_space<hbm>> -> memref<80x128xf32, #tpu.memory_space<hbm>>
        %dma_start3A_179 = arith.constant 0 : i32
        %dma_start3A_180 = arith.constant 0 : i32
        %dma_start3A_181 = tpu.memref_slice %arg6[%dma_start3A_172, %dma_start3A_179, %dma_start3A_180] : memref<3x80x128xf32, #tpu.memory_space<vmem>> -> memref<1x80x128xf32, #tpu.memory_space<vmem>>
        %dma_start3A_182 = tpu.memref_squeeze %dma_start3A_181 : memref<1x80x128xf32, #tpu.memory_space<vmem>> -> memref<80x128xf32, #tpu.memory_space<vmem>>
        %dma_start3A_183 = arith.constant 0 : i32
        %dma_start3A_184 = tpu.memref_slice %arg2[%add3A_171, %dma_start3A_183] : memref<320000x128xf32, #tpu.memory_space<hbm>> -> memref<80x128xf32, #tpu.memory_space<hbm>>
        tpu.enqueue_dma source(%dma_start3A_184 : memref<80x128xf32, #tpu.memory_space<hbm>>) target(%dma_start3A_182 : memref<80x128xf32, #tpu.memory_space<vmem>>) target_semaphore(%arg11 : memref<!tpu.dma_semaphore, #tpu.memory_space<semaphore_mem>>)
      } else {
      }
    }
    %scan3A_53 = arith.constant 41 : i32
    %dma_wait3A = arith.constant 0 : i32
    %dma_wait3A_54 = arith.constant 0 : i32
    %dma_wait3A_55 = arith.constant 0 : i32
    %dma_wait3A_56 = tpu.memref_slice %arg6[%dma_wait3A, %dma_wait3A_54, %dma_wait3A_55] : memref<3x80x128xf32, #tpu.memory_space<vmem>> -> memref<1x80x128xf32, #tpu.memory_space<vmem>>
    %dma_wait3A_57 = tpu.memref_squeeze %dma_wait3A_56 : memref<1x80x128xf32, #tpu.memory_space<vmem>> -> memref<80x128xf32, #tpu.memory_space<vmem>>
    %dma_wait3A_58 = arith.constant 0 : i32
    %dma_wait3A_59 = tpu.memref_slice %arg2[%mul3A_2, %dma_wait3A_58] : memref<320000x128xf32, #tpu.memory_space<hbm>> -> memref<80x128xf32, #tpu.memory_space<hbm>>
    %dma_wait3A_60 = arith.constant 0 : i32
    %dma_wait3A_61 = arith.constant 0 : i32
    %dma_wait3A_62 = tpu.memref_slice %arg6[%dma_wait3A, %dma_wait3A_60, %dma_wait3A_61] : memref<3x80x128xf32, #tpu.memory_space<vmem>> -> memref<1x80x128xf32, #tpu.memory_space<vmem>>
    %dma_wait3A_63 = tpu.memref_squeeze %dma_wait3A_62 : memref<1x80x128xf32, #tpu.memory_space<vmem>> -> memref<80x128xf32, #tpu.memory_space<vmem>>
    %dma_wait3A_64 = arith.constant 0 : i32
    %dma_wait3A_65 = tpu.memref_slice %arg2[%mul3A_2, %dma_wait3A_64] : memref<320000x128xf32, #tpu.memory_space<hbm>> -> memref<80x128xf32, #tpu.memory_space<hbm>>
    tpu.wait_dma2 semaphore(%arg9 : memref<!tpu.dma_semaphore, #tpu.memory_space<semaphore_mem>>) src(%dma_wait3A_65 : memref<80x128xf32, #tpu.memory_space<hbm>>) dst(%dma_wait3A_63 : memref<80x128xf32, #tpu.memory_space<vmem>>)
    %run_scoped3A = arith.constant 0 : i32
    %run_scoped3A_66 = arith.constant 123 : i32
    "tpu.region"() ({
      %run_scoped3A_90 = tpu.sem_alloc : memref<!tpu.dma_semaphore, #tpu.memory_space<semaphore_mem>>
      %dma_start3A_91 = arith.constant 0 : i32
      %dma_start3A_92 = arith.constant 0 : i32
      %dma_start3A_93 = tpu.memref_slice %arg6[%run_scoped3A, %dma_start3A_91, %dma_start3A_92] : memref<3x80x128xf32, #tpu.memory_space<vmem>> -> memref<1x80x128xf32, #tpu.memory_space<vmem>>
      %dma_start3A_94 = tpu.memref_squeeze %dma_start3A_93 : memref<1x80x128xf32, #tpu.memory_space<vmem>> -> memref<80x128xf32, #tpu.memory_space<vmem>>
      %dma_start3A_95 = arith.constant 0 : i32
      %dma_start3A_96 = tpu.memref_slice %arg7[%run_scoped3A_66, %dma_start3A_95] : memref<125x80xi32, #tpu.memory_space<vmem>> -> memref<1x80xi32, #tpu.memory_space<vmem>>
      %dma_start3A_97 = tpu.memref_squeeze %dma_start3A_96 : memref<1x80xi32, #tpu.memory_space<vmem>> -> memref<80xi32, #tpu.memory_space<vmem>>
      %dma_start3A_98 = arith.constant 0 : i32
      %dma_start3A_99 = arith.constant 0 : i32
      %dma_start3A_100 = tpu.memref_slice %arg8[%dma_start3A_98, %dma_start3A_99] : memref<10240x128xf32, #tpu.memory_space<vmem_shared>> -> memref<10240x128xf32, #tpu.memory_space<vmem_shared>>
      tpu.enqueue_indirect_dma source(%dma_start3A_94 : memref<80x128xf32, #tpu.memory_space<vmem>>) target(%dma_start3A_100 : memref<10240x128xf32, #tpu.memory_space<vmem_shared>>) offsets(%dma_start3A_97 : memref<80xi32, #tpu.memory_space<vmem>>) semaphore(%run_scoped3A_90 : memref<!tpu.dma_semaphore, #tpu.memory_space<semaphore_mem>>) {add = true}
      %dma_wait3A_101 = arith.constant 0 : i32
      %dma_wait3A_102 = arith.constant 0 : i32
      %dma_wait3A_103 = tpu.memref_slice %arg6[%run_scoped3A, %dma_wait3A_101, %dma_wait3A_102] : memref<3x80x128xf32, #tpu.memory_space<vmem>> -> memref<1x80x128xf32, #tpu.memory_space<vmem>>
      %dma_wait3A_104 = tpu.memref_squeeze %dma_wait3A_103 : memref<1x80x128xf32, #tpu.memory_space<vmem>> -> memref<80x128xf32, #tpu.memory_space<vmem>>
      %dma_wait3A_105 = arith.constant 0 : i32
      %dma_wait3A_106 = tpu.memref_slice %arg7[%run_scoped3A_66, %dma_wait3A_105] : memref<125x80xi32, #tpu.memory_space<vmem>> -> memref<1x80xi32, #tpu.memory_space<vmem>>
      %dma_wait3A_107 = tpu.memref_squeeze %dma_wait3A_106 : memref<1x80xi32, #tpu.memory_space<vmem>> -> memref<80xi32, #tpu.memory_space<vmem>>
      %dma_wait3A_108 = arith.constant 0 : i32
      %dma_wait3A_109 = arith.constant 0 : i32
      %dma_wait3A_110 = tpu.memref_slice %arg8[%dma_wait3A_108, %dma_wait3A_109] : memref<10240x128xf32, #tpu.memory_space<vmem_shared>> -> memref<10240x128xf32, #tpu.memory_space<vmem_shared>>
      tpu.wait_indirect_dma semaphore(%run_scoped3A_90 : memref<!tpu.dma_semaphore, #tpu.memory_space<semaphore_mem>>) src(%dma_wait3A_104 : memref<80x128xf32, #tpu.memory_space<vmem>>) dst(%dma_wait3A_110 : memref<10240x128xf32, #tpu.memory_space<vmem_shared>>)
      tpu.yield
    }) : () -> ()
    %dma_wait3A_67 = arith.constant 1 : i32
    %dma_wait3A_68 = arith.constant 0 : i32
    %dma_wait3A_69 = arith.constant 0 : i32
    %dma_wait3A_70 = tpu.memref_slice %arg6[%dma_wait3A_67, %dma_wait3A_68, %dma_wait3A_69] : memref<3x80x128xf32, #tpu.memory_space<vmem>> -> memref<1x80x128xf32, #tpu.memory_space<vmem>>
    %dma_wait3A_71 = tpu.memref_squeeze %dma_wait3A_70 : memref<1x80x128xf32, #tpu.memory_space<vmem>> -> memref<80x128xf32, #tpu.memory_space<vmem>>
    %dma_wait3A_72 = arith.constant 0 : i32
    %dma_wait3A_73 = tpu.memref_slice %arg2[%mul3A_2, %dma_wait3A_72] : memref<320000x128xf32, #tpu.memory_space<hbm>> -> memref<80x128xf32, #tpu.memory_space<hbm>>
    %dma_wait3A_74 = arith.constant 0 : i32
    %dma_wait3A_75 = arith.constant 0 : i32
    %dma_wait3A_76 = tpu.memref_slice %arg6[%dma_wait3A_67, %dma_wait3A_74, %dma_wait3A_75] : memref<3x80x128xf32, #tpu.memory_space<vmem>> -> memref<1x80x128xf32, #tpu.memory_space<vmem>>
    %dma_wait3A_77 = tpu.memref_squeeze %dma_wait3A_76 : memref<1x80x128xf32, #tpu.memory_space<vmem>> -> memref<80x128xf32, #tpu.memory_space<vmem>>
    %dma_wait3A_78 = arith.constant 0 : i32
    %dma_wait3A_79 = tpu.memref_slice %arg2[%mul3A_2, %dma_wait3A_78] : memref<320000x128xf32, #tpu.memory_space<hbm>> -> memref<80x128xf32, #tpu.memory_space<hbm>>
    tpu.wait_dma2 semaphore(%arg10 : memref<!tpu.dma_semaphore, #tpu.memory_space<semaphore_mem>>) src(%dma_wait3A_79 : memref<80x128xf32, #tpu.memory_space<hbm>>) dst(%dma_wait3A_77 : memref<80x128xf32, #tpu.memory_space<vmem>>)
    %run_scoped3A_80 = arith.constant 1 : i32
    %run_scoped3A_81 = arith.constant 124 : i32
    "tpu.region"() ({
      %run_scoped3A_90 = tpu.sem_alloc : memref<!tpu.dma_semaphore, #tpu.memory_space<semaphore_mem>>
      %dma_start3A_91 = arith.constant 0 : i32
      %dma_start3A_92 = arith.constant 0 : i32
      %dma_start3A_93 = tpu.memref_slice %arg6[%run_scoped3A_80, %dma_start3A_91, %dma_start3A_92] : memref<3x80x128xf32, #tpu.memory_space<vmem>> -> memref<1x80x128xf32, #tpu.memory_space<vmem>>
      %dma_start3A_94 = tpu.memref_squeeze %dma_start3A_93 : memref<1x80x128xf32, #tpu.memory_space<vmem>> -> memref<80x128xf32, #tpu.memory_space<vmem>>
      %dma_start3A_95 = arith.constant 0 : i32
      %dma_start3A_96 = tpu.memref_slice %arg7[%run_scoped3A_81, %dma_start3A_95] : memref<125x80xi32, #tpu.memory_space<vmem>> -> memref<1x80xi32, #tpu.memory_space<vmem>>
      %dma_start3A_97 = tpu.memref_squeeze %dma_start3A_96 : memref<1x80xi32, #tpu.memory_space<vmem>> -> memref<80xi32, #tpu.memory_space<vmem>>
      %dma_start3A_98 = arith.constant 0 : i32
      %dma_start3A_99 = arith.constant 0 : i32
      %dma_start3A_100 = tpu.memref_slice %arg8[%dma_start3A_98, %dma_start3A_99] : memref<10240x128xf32, #tpu.memory_space<vmem_shared>> -> memref<10240x128xf32, #tpu.memory_space<vmem_shared>>
      tpu.enqueue_indirect_dma source(%dma_start3A_94 : memref<80x128xf32, #tpu.memory_space<vmem>>) target(%dma_start3A_100 : memref<10240x128xf32, #tpu.memory_space<vmem_shared>>) offsets(%dma_start3A_97 : memref<80xi32, #tpu.memory_space<vmem>>) semaphore(%run_scoped3A_90 : memref<!tpu.dma_semaphore, #tpu.memory_space<semaphore_mem>>) {add = true}
      %dma_wait3A_101 = arith.constant 0 : i32
      %dma_wait3A_102 = arith.constant 0 : i32
      %dma_wait3A_103 = tpu.memref_slice %arg6[%run_scoped3A_80, %dma_wait3A_101, %dma_wait3A_102] : memref<3x80x128xf32, #tpu.memory_space<vmem>> -> memref<1x80x128xf32, #tpu.memory_space<vmem>>
      %dma_wait3A_104 = tpu.memref_squeeze %dma_wait3A_103 : memref<1x80x128xf32, #tpu.memory_space<vmem>> -> memref<80x128xf32, #tpu.memory_space<vmem>>
      %dma_wait3A_105 = arith.constant 0 : i32
      %dma_wait3A_106 = tpu.memref_slice %arg7[%run_scoped3A_81, %dma_wait3A_105] : memref<125x80xi32, #tpu.memory_space<vmem>> -> memref<1x80xi32, #tpu.memory_space<vmem>>
      %dma_wait3A_107 = tpu.memref_squeeze %dma_wait3A_106 : memref<1x80xi32, #tpu.memory_space<vmem>> -> memref<80xi32, #tpu.memory_space<vmem>>
      %dma_wait3A_108 = arith.constant 0 : i32
      %dma_wait3A_109 = arith.constant 0 : i32
      %dma_wait3A_110 = tpu.memref_slice %arg8[%dma_wait3A_108, %dma_wait3A_109] : memref<10240x128xf32, #tpu.memory_space<vmem_shared>> -> memref<10240x128xf32, #tpu.memory_space<vmem_shared>>
      tpu.wait_indirect_dma semaphore(%run_scoped3A_90 : memref<!tpu.dma_semaphore, #tpu.memory_space<semaphore_mem>>) src(%dma_wait3A_104 : memref<80x128xf32, #tpu.memory_space<vmem>>) dst(%dma_wait3A_110 : memref<10240x128xf32, #tpu.memory_space<vmem_shared>>)
      tpu.yield
    }) : () -> ()
    %barrier3A_82 = arith.constant 0 : index
    tpu.barrier barrier_id(%barrier3A_82)
    %mul3A_83 = arith.constant 640 : i32
    %mul3A_84 = arith.muli %arg1, %mul3A_83 : i32
    %mul3A_85 = arith.constant 10240 : i32
    %mul3A_86 = arith.muli %arg0, %mul3A_85 : i32
    %mul3A_87 = arith.constant 640 : i32
    %mul3A_88 = arith.muli %arg1, %mul3A_87 : i32
    %add3A_89 = arith.addi %mul3A_86, %mul3A_88 : i32
    "tpu.region"() ({
      %run_scoped3A_90 = tpu.sem_alloc : memref<!tpu.dma_semaphore, #tpu.memory_space<semaphore_mem>>
      %dma_start3A_91 = arith.constant 0 : i32
      %dma_start3A_92 = tpu.memref_slice %arg5[%add3A_89, %dma_start3A_91] : memref<20480x128xf32, #tpu.memory_space<hbm>> -> memref<640x128xf32, #tpu.memory_space<hbm>>
      %dma_start3A_93 = arith.constant 0 : i32
      %dma_start3A_94 = tpu.memref_slice %arg8[%mul3A_84, %dma_start3A_93] : memref<10240x128xf32, #tpu.memory_space<vmem_shared>> -> memref<640x128xf32, #tpu.memory_space<vmem_shared>>
      tpu.enqueue_dma source(%dma_start3A_94 : memref<640x128xf32, #tpu.memory_space<vmem_shared>>) target(%dma_start3A_92 : memref<640x128xf32, #tpu.memory_space<hbm>>) target_semaphore(%run_scoped3A_90 : memref<!tpu.dma_semaphore, #tpu.memory_space<semaphore_mem>>)
      %dma_wait3A_95 = arith.constant 0 : i32
      %dma_wait3A_96 = tpu.memref_slice %arg5[%add3A_89, %dma_wait3A_95] : memref<20480x128xf32, #tpu.memory_space<hbm>> -> memref<640x128xf32, #tpu.memory_space<hbm>>
      %dma_wait3A_97 = arith.constant 0 : i32
      %dma_wait3A_98 = tpu.memref_slice %arg8[%mul3A_84, %dma_wait3A_97] : memref<10240x128xf32, #tpu.memory_space<vmem_shared>> -> memref<640x128xf32, #tpu.memory_space<vmem_shared>>
      tpu.wait_dma2 semaphore(%run_scoped3A_90 : memref<!tpu.dma_semaphore, #tpu.memory_space<semaphore_mem>>) src(%dma_wait3A_98 : memref<640x128xf32, #tpu.memory_space<vmem_shared>>) dst(%dma_wait3A_96 : memref<640x128xf32, #tpu.memory_space<hbm>>)
      tpu.yield
    }) : () -> ()
    return
  }
}

module attributes {stable_mosaic.version = 14 : i64} {
  func.func @_msg_body(%arg0: i32, %arg1: memref<8000x128xf32, #tpu.memory_space<vmem>>, %arg2: memref<8000x16xf32, #tpu.memory_space<vmem>>, %arg3: memref<16x128xf32, #tpu.memory_space<vmem>>, %arg4: memref<1x128xf32, #tpu.memory_space<vmem>>, %arg5: memref<8000x128xf32, #tpu.memory_space<vmem>>) attributes {dimension_semantics = [#tpu.dimension_semantics<arbitrary>], iteration_bounds = array<i64: 40>, scalar_prefetch = 0 : i64, scratch_operands = 0 : i64, tpu.core_type = #tpu.core_type<tc>, window_params = [{transform_indices = @transform_0, window_bounds = array<i64: 8000, 128>}, {transform_indices = @transform_1, window_bounds = array<i64: 8000, 16>}, {pipeline_mode = #tpu.pipeline_mode<synchronous>, transform_indices = @transform_2, window_bounds = array<i64: 16, 128>}, {pipeline_mode = #tpu.pipeline_mode<synchronous>, transform_indices = @transform_3, window_bounds = array<i64: 1, 128>}, {transform_indices = @transform_4, window_bounds = array<i64: 8000, 128>}]} {
    %get3A = arith.constant 0 : index
    %get3A_0 = arith.constant 0 : index
    %get3A_1 = vector.load %arg2[%get3A, %get3A_0] : memref<8000x16xf32, #tpu.memory_space<vmem>>, vector<8000x16xf32>
    %get3A_2 = arith.constant 0 : index
    %get3A_3 = arith.constant 0 : index
    %get3A_4 = vector.load %arg3[%get3A_2, %get3A_3] : memref<16x128xf32, #tpu.memory_space<vmem>>, vector<16x128xf32>
    %dot_general3A = arith.constant dense<0.000000e+00> : vector<8000x128xf32>
    %dot_general3A_5 = tpu.matmul %get3A_1, %get3A_4, %dot_general3A {dimension_numbers = #tpu.dot_dimension_numbers<[1], [0], [0], [1], [0, 0, 1, 1], [], []>, transpose_lhs_hint = false} : vector<8000x16xf32>, vector<16x128xf32>, vector<8000x128xf32> -> vector<8000x128xf32>
    %get3A_6 = arith.constant 0 : index
    %get3A_7 = arith.constant 0 : index
    %get3A_8 = vector.load %arg4[%get3A_6, %get3A_7] : memref<1x128xf32, #tpu.memory_space<vmem>>, vector<1x128xf32>
    %add3A = vector.broadcast %get3A_8 : vector<1x128xf32> to vector<8000x128xf32>
    %add3A_9 = arith.addf %dot_general3A_5, %add3A : vector<8000x128xf32>
    %get3A_10 = arith.constant 0 : index
    %get3A_11 = arith.constant 0 : index
    %get3A_12 = vector.load %arg1[%get3A_10, %get3A_11] : memref<8000x128xf32, #tpu.memory_space<vmem>>, vector<8000x128xf32>
    %mul3A = arith.mulf %add3A_9, %get3A_12 : vector<8000x128xf32>
    %swap3A = arith.constant 0 : index
    %swap3A_13 = arith.constant 0 : index
    %swap3A_14 = vector.load %arg5[%swap3A, %swap3A_13] : memref<8000x128xf32, #tpu.memory_space<vmem>>, vector<8000x128xf32>
    tpu.vector_store %arg5[%swap3A, %swap3A_13], %mul3A {strides = array<i32>} : memref<8000x128xf32, #tpu.memory_space<vmem>>, vector<8000x128xf32>,
    return
  }
  func.func @transform_0(%arg0: i32) -> (i32, i32) {
    %c0_i32 = arith.constant 0 : i32
    %c0_i32_0 = arith.constant 0 : i32
    return %arg0, %c0_i32 : i32, i32
  }
  func.func @transform_1(%arg0: i32) -> (i32, i32) {
    %c0_i32 = arith.constant 0 : i32
    %c0_i32_0 = arith.constant 0 : i32
    return %arg0, %c0_i32 : i32, i32
  }
  func.func @transform_2(%arg0: i32) -> (i32, i32) {
    %c0_i32 = arith.constant 0 : i32
    %c0_i32_0 = arith.constant 0 : i32
    %c0_i32_1 = arith.constant 0 : i32
    return %c0_i32, %c0_i32_0 : i32, i32
  }
  func.func @transform_3(%arg0: i32) -> (i32, i32) {
    %c0_i32 = arith.constant 0 : i32
    %c0_i32_0 = arith.constant 0 : i32
    %c0_i32_1 = arith.constant 0 : i32
    return %c0_i32, %c0_i32_0 : i32, i32
  }
  func.func @transform_4(%arg0: i32) -> (i32, i32) {
    %c0_i32 = arith.constant 0 : i32
    %c0_i32_0 = arith.constant 0 : i32
    return %arg0, %c0_i32 : i32, i32
  }
}

module attributes {stable_mosaic.version = 14 : i64} {
  func.func @_mlp_body(%arg0: i32, %arg1: memref<640x128xf32, #tpu.memory_space<vmem>>, %arg2: memref<640x128xf32, #tpu.memory_space<vmem>>, %arg3: memref<128x128xf32, #tpu.memory_space<vmem>>, %arg4: memref<1x128xf32, #tpu.memory_space<vmem>>, %arg5: memref<128x128xf32, #tpu.memory_space<vmem>>, %arg6: memref<1x128xf32, #tpu.memory_space<vmem>>, %arg7: memref<128x1xf32, #tpu.memory_space<vmem>>, %arg8: memref<1x1xf32, #tpu.memory_space<vmem>>, %arg9: memref<640x1xf32, #tpu.memory_space<vmem>>) attributes {dimension_semantics = [#tpu.dimension_semantics<arbitrary>], iteration_bounds = array<i64: 16>, scalar_prefetch = 0 : i64, scratch_operands = 0 : i64, tpu.core_type = #tpu.core_type<tc>, window_params = [{transform_indices = @transform_0, window_bounds = array<i64: 640, 128>}, {transform_indices = @transform_1, window_bounds = array<i64: 640, 128>}, {pipeline_mode = #tpu.pipeline_mode<synchronous>, transform_indices = @transform_2, window_bounds = array<i64: 128, 128>}, {pipeline_mode = #tpu.pipeline_mode<synchronous>, transform_indices = @transform_3, window_bounds = array<i64: 1, 128>}, {pipeline_mode = #tpu.pipeline_mode<synchronous>, transform_indices = @transform_4, window_bounds = array<i64: 128, 128>}, {pipeline_mode = #tpu.pipeline_mode<synchronous>, transform_indices = @transform_5, window_bounds = array<i64: 1, 128>}, {pipeline_mode = #tpu.pipeline_mode<synchronous>, transform_indices = @transform_6, window_bounds = array<i64: 128, 1>}, {pipeline_mode = #tpu.pipeline_mode<synchronous>, transform_indices = @transform_7, window_bounds = array<i64: 1, 1>}, {transform_indices = @transform_8, window_bounds = array<i64: 640, 1>}]} {
    %get3A = arith.constant 0 : index
    %get3A_0 = arith.constant 0 : index
    %get3A_1 = vector.load %arg1[%get3A, %get3A_0] : memref<640x128xf32, #tpu.memory_space<vmem>>, vector<640x128xf32>
    %get3A_2 = arith.constant 0 : index
    %get3A_3 = arith.constant 0 : index
    %get3A_4 = vector.load %arg2[%get3A_2, %get3A_3] : memref<640x128xf32, #tpu.memory_space<vmem>>, vector<640x128xf32>
    %add3A = arith.addf %get3A_1, %get3A_4 : vector<640x128xf32>
    %get3A_5 = arith.constant 0 : index
    %get3A_6 = arith.constant 0 : index
    %get3A_7 = vector.load %arg3[%get3A_5, %get3A_6] : memref<128x128xf32, #tpu.memory_space<vmem>>, vector<128x128xf32>
    %dot_general3A = arith.constant dense<0.000000e+00> : vector<640x128xf32>
    %dot_general3A_8 = tpu.matmul %add3A, %get3A_7, %dot_general3A {dimension_numbers = #tpu.dot_dimension_numbers<[1], [0], [0], [1], [0, 0, 1, 1], [], []>, transpose_lhs_hint = false} : vector<640x128xf32>, vector<128x128xf32>, vector<640x128xf32> -> vector<640x128xf32>
    %get3A_9 = arith.constant 0 : index
    %get3A_10 = arith.constant 0 : index
    %get3A_11 = vector.load %arg4[%get3A_9, %get3A_10] : memref<1x128xf32, #tpu.memory_space<vmem>>, vector<1x128xf32>
    %add3A_12 = vector.broadcast %get3A_11 : vector<1x128xf32> to vector<640x128xf32>
    %add3A_13 = arith.addf %dot_general3A_8, %add3A_12 : vector<640x128xf32>
    %logistic3A = arith.negf %add3A_13 : vector<640x128xf32>
    %logistic3A_14 = math.exp %logistic3A : vector<640x128xf32>
    %logistic3A_15 = arith.constant 1.000000e+00 : f32
    %logistic3A_16 = vector.broadcast %logistic3A_15 : f32 to vector<640x128xf32>
    %logistic3A_17 = arith.addf %logistic3A_16, %logistic3A_14 : vector<640x128xf32>
    %logistic3A_18 = arith.divf %logistic3A_16, %logistic3A_17 : vector<640x128xf32>
    %mul3A = arith.mulf %add3A_13, %logistic3A_18 : vector<640x128xf32>
    %get3A_19 = arith.constant 0 : index
    %get3A_20 = arith.constant 0 : index
    %get3A_21 = vector.load %arg5[%get3A_19, %get3A_20] : memref<128x128xf32, #tpu.memory_space<vmem>>, vector<128x128xf32>
    %dot_general3A_22 = arith.constant dense<0.000000e+00> : vector<640x128xf32>
    %dot_general3A_23 = tpu.matmul %mul3A, %get3A_21, %dot_general3A_22 {dimension_numbers = #tpu.dot_dimension_numbers<[1], [0], [0], [1], [0, 0, 1, 1], [], []>, transpose_lhs_hint = false} : vector<640x128xf32>, vector<128x128xf32>, vector<640x128xf32> -> vector<640x128xf32>
    %get3A_24 = arith.constant 0 : index
    %get3A_25 = arith.constant 0 : index
    %get3A_26 = vector.load %arg6[%get3A_24, %get3A_25] : memref<1x128xf32, #tpu.memory_space<vmem>>, vector<1x128xf32>
    %add3A_27 = vector.broadcast %get3A_26 : vector<1x128xf32> to vector<640x128xf32>
    %add3A_28 = arith.addf %dot_general3A_23, %add3A_27 : vector<640x128xf32>
    %logistic3A_29 = arith.negf %add3A_28 : vector<640x128xf32>
    %logistic3A_30 = math.exp %logistic3A_29 : vector<640x128xf32>
    %logistic3A_31 = arith.constant 1.000000e+00 : f32
    %logistic3A_32 = vector.broadcast %logistic3A_31 : f32 to vector<640x128xf32>
    %logistic3A_33 = arith.addf %logistic3A_32, %logistic3A_30 : vector<640x128xf32>
    %logistic3A_34 = arith.divf %logistic3A_32, %logistic3A_33 : vector<640x128xf32>
    %mul3A_35 = arith.mulf %add3A_28, %logistic3A_34 : vector<640x128xf32>
    %get3A_36 = arith.constant 0 : index
    %get3A_37 = arith.constant 0 : index
    %get3A_38 = vector.load %arg7[%get3A_36, %get3A_37] : memref<128x1xf32, #tpu.memory_space<vmem>>, vector<128x1xf32>
    %dot_general3A_39 = arith.constant dense<0.000000e+00> : vector<640x1xf32>
    %dot_general3A_40 = tpu.matmul %mul3A_35, %get3A_38, %dot_general3A_39 {dimension_numbers = #tpu.dot_dimension_numbers<[1], [0], [0], [1], [0, 0, 1, 1], [], []>, transpose_lhs_hint = false} : vector<640x128xf32>, vector<128x1xf32>, vector<640x1xf32> -> vector<640x1xf32>
    %get3A_41 = arith.constant 0 : index
    %get3A_42 = arith.constant 0 : index
    %get3A_43 = vector.load %arg8[%get3A_41, %get3A_42] : memref<1x1xf32, #tpu.memory_space<vmem>>, vector<1x1xf32>
    %add3A_44 = vector.broadcast %get3A_43 : vector<1x1xf32> to vector<640x1xf32>
    %add3A_45 = arith.addf %dot_general3A_40, %add3A_44 : vector<640x1xf32>
    %swap3A = arith.constant 0 : index
    %swap3A_46 = arith.constant 0 : index
    %swap3A_47 = vector.load %arg9[%swap3A, %swap3A_46] : memref<640x1xf32, #tpu.memory_space<vmem>>, vector<640x1xf32>
    tpu.vector_store %arg9[%swap3A, %swap3A_46], %add3A_45 {strides = array<i32>} : memref<640x1xf32, #tpu.memory_space<vmem>>, vector<640x1xf32>,
    return
  }
  func.func @transform_0(%arg0: i32) -> (i32, i32) {
    %c0_i32 = arith.constant 0 : i32
    %c0_i32_0 = arith.constant 0 : i32
    return %arg0, %c0_i32 : i32, i32
  }
  func.func @transform_1(%arg0: i32) -> (i32, i32) {
    %add3A = arith.constant 16 : i32
    %add3A_0 = arith.addi %arg0, %add3A : i32
    %c0_i32 = arith.constant 0 : i32
    %c0_i32_1 = arith.constant 0 : i32
    return %add3A_0, %c0_i32 : i32, i32
  }
  func.func @transform_2(%arg0: i32) -> (i32, i32) {
    %c0_i32 = arith.constant 0 : i32
    %c0_i32_0 = arith.constant 0 : i32
    %c0_i32_1 = arith.constant 0 : i32
    return %c0_i32, %c0_i32_0 : i32, i32
  }
  func.func @transform_3(%arg0: i32) -> (i32, i32) {
    %c0_i32 = arith.constant 0 : i32
    %c0_i32_0 = arith.constant 0 : i32
    %c0_i32_1 = arith.constant 0 : i32
    return %c0_i32, %c0_i32_0 : i32, i32
  }
  func.func @transform_4(%arg0: i32) -> (i32, i32) {
    %c0_i32 = arith.constant 0 : i32
    %c0_i32_0 = arith.constant 0 : i32
    %c0_i32_1 = arith.constant 0 : i32
    return %c0_i32, %c0_i32_0 : i32, i32
  }
  func.func @transform_5(%arg0: i32) -> (i32, i32) {
    %c0_i32 = arith.constant 0 : i32
    %c0_i32_0 = arith.constant 0 : i32
    %c0_i32_1 = arith.constant 0 : i32
    return %c0_i32, %c0_i32_0 : i32, i32
  }
  func.func @transform_6(%arg0: i32) -> (i32, i32) {
    %c0_i32 = arith.constant 0 : i32
    %c0_i32_0 = arith.constant 0 : i32
    %c0_i32_1 = arith.constant 0 : i32
    return %c0_i32, %c0_i32_0 : i32, i32
  }
  func.func @transform_7(%arg0: i32) -> (i32, i32) {
    %c0_i32 = arith.constant 0 : i32
    %c0_i32_0 = arith.constant 0 : i32
    %c0_i32_1 = arith.constant 0 : i32
    return %c0_i32, %c0_i32_0 : i32, i32
  }
  func.func @transform_8(%arg0: i32) -> (i32, i32) {
    %c0_i32 = arith.constant 0 : i32
    %c0_i32_0 = arith.constant 0 : i32
    return %arg0, %c0_i32 : i32, i32
  }
}

</mosaic_0001>

<sc_bundles>
// kernel: kernel.5.cloned.1.call-start
scs
__scs_entry_jumppad:
0x0: {  	(pc) =	sbr.rel $0x88, $3  }
0x1: {  	(tag) =	ssettag $0x0;
	lr =	simm.s32 $0x1  }
0x2: {  	[smem:$0x3F96] =	sst lr;
	_ =	strace $0xD0000000  }
0x3: {  	_ = 	snop  }
0x4: {  	_ = 	snop  }
0x5: {  	_ = 	snop  }
0x6: {  	_ = 	snop  }
0x7: {  	_ = 	snop  }
__scs_overlays_trampoline_lowered:
0x8: {  	[smem:$0x3FA5] =	sst s0  }
0x9: {  	[smem:$0x3FA6] =	sst s1  }
0xa: {  	[smem:$0x3FA7] =	sst s2  }
0xb: {  	[smem:$0x3FA8] =	sst s3  }
0xc: {  	[smem:$0x3FA9] =	sst s4  }
0xd: {  	[smem:$0x3FAA] =	sst s5  }
0xe: {  	[smem:$0x3FAB] =	sst s6  }
0xf: {  	[smem:$0x3FAC] =	sst s7  }
0x10: {  	[smem:$0x3FAD] =	sst s8  }
0x11: {  	[smem:$0x3FAE] =	sst s9;
	s0 =	simm.s32 @!p0 $0x0  }
0x12: {  	s1 =	sld [smem:$0x3F94];
	s0 =	simm.s32 @p0 $0x1  }
0x13: {  	[smem:$0x3FAF] =	sst s0;
	s0 =	simm.s32 @!p1 $0x0  }
0x14: {  	s2 =	sld [smem:$0x3F93];
	s0 =	simm.s32 @p1 $0x1  }
0x15: {  	[smem:$0x3FB0] =	sst s0;
	s0 =	simm.s32 @!p2 $0x0  }
0x16: {  	s3 =	sld [smem:$0x3FDB];
	s0 =	simm.s32 @p2 $0x1  }
0x17: {  	s4 =	simm.s32 $0x1BF5;
	[smem:$0x3FB2] =	sst s0  }
0x18: {  	s0 =	sld [smem:$0x3F95];
	_ =	swait.ge [sflag:s4], $0x0  }
0x19: {  	s7 =	sld [smem:$0x3F96]  }
0x1a: {  	s8 =	sadd.s32 $0xFFFFE003, lr  }
0x1b: {  	s9 =	sadd.s32 $0xFFFFFEF7, lr;
	s5 =	simm.s32 $0xFFFFFFFF;
	p2 =	slt.u32 s8, $0xFFFFF086  }
0x1c: {  	p1 =	slt.u32 s9, $0xF7A;
	s5 =	simm.s32 @!p2 $0x0  }
0x1d: {  	s5 =	simm.s32 @p1 $0x1;
	p0 =	seq.s32 s7, s2  }
0x1e: {  	s7 =	smul.u32 @!p0 $0xF7A, s2;
	p2 =	seq.s32 @!p0 s5, $0x0  }
0x1f: {  	s9 =	smul.u32 $0xF7A, s1;
	s8 =	simm.s32 @!p0 $0x1BF5;
	p2 =	por !p2, p0  }
0x20: {  	[sflag:s8] =	ssyncset.s32 @!p0 $0xFFFFF086;
	s6 =	sadd.s32 @!p0 s3, s7;
	s7 =	simm.s32 @!p0 $0x108  }
0x21: {  	s3 =	sadd.s32 s3, s9;
	s6 =	sadd.s32 @!p0 $0x88, s6;
	s7 =	simm.s32 @p2 $0x1082  }
0x22: {  	[simem:s7], [sflag:s8] =	dma.local @!p0 [hbm:s6], $0xF7A  }
0x23: {  	s9 =	sor.u32 $0xD0000000, s2;
	s6 =	simm.s32 $0x108;
	_ =	swait.ge @!p0 [sflag:s8], $0x0  }
0x24: {  	s3 =	sadd.s32 $0x88, s3;
	s6 =	simm.s32 @!p1 $0x1082;
	[sflag:s4] =	ssyncset.s32 $0xFFFFF086  }
0x25: {  	[simem:s6], [sflag:s4] =	dma.local [hbm:s3], $0xF7A  }
0x26: {  	[smem:$0x3F96] =	sst s1;
	(tag) =	ssettag s2;
	_ =	strace s9  }
0x27: {  	s1 =	sld [smem:$0x3FA6]  }
0x28: {  	s2 =	sld [smem:$0x3FA7]  }
0x29: {  	s4 =	sld [smem:$0x3FA9]  }
0x2a: {  	p0 =	seq.s32 s5, $0x0;
	s5 =	sld [smem:$0x3FAA]  }
0x2b: {  	s6 =	sld [smem:$0x3FAB]  }
0x2c: {  	s7 =	sld [smem:$0x3FAC]  }
0x2d: {  	s3 =	simm.s32 $0x108;
	s8 =	sld [smem:$0x3FAD]  }
0x2e: {  	s3 =	simm.s32 @!p0 $0x1082;
	s9 =	sld [smem:$0x3FAE]  }
0x2f: {  	lr =	sadd.s32 s0, s3;
	s0 =	sld [smem:$0x3FA5]  }
0x30: {  	s3 =	sld [smem:$0x3FA8]  }
0x31: {  	[smem:$0x3FB1] =	sst s10  }
0x32: {  	s10 =	sld [smem:$0x3FAF];
	_ =	sdelay $0x3  }
0x33: {  	p0 =	seq.s32 s10, $0x1;
	s10 =	sld [smem:$0x3FB1];
	_ =	sdelay $0x3  }
0x34: {  	[smem:$0x3FB1] =	sst s10  }
0x35: {  	s10 =	sld [smem:$0x3FB0];
	_ =	sdelay $0x3  }
0x36: {  	p1 =	seq.s32 s10, $0x1;
	s10 =	sld [smem:$0x3FB1];
	_ =	sdelay $0x3  }
0x37: {  	[smem:$0x3FB1] =	sst s10  }
0x38: {  	s10 =	sld [smem:$0x3FB2]  }
0x39: {  	_ = 	snop;
	(pc) =	sbr.ind lr, $3  }
0x3a: {  	_ = 	snop  }
0x3b: {  	_ = 	snop  }
0x3c: {  	p2 =	seq.s32 s10, $0x1;
	s10 =	sld [smem:$0x3FB1]  }
0x3d: {  	_ =	shalt  }
0x3e: {  	_ =	shalt  }
0x3f: {  	_ =	shalt  }
0x40: {  	_ =	shalt  }
0x41: {  	_ =	shalt  }
0x42: {  	_ =	shalt  }
0x43: {  	_ =	shalt  }
0x44: {  	_ =	shalt  }
0x45: {  	_ =	shalt  }
0x46: {  	_ =	shalt  }
0x47: {  	_ =	shalt  }
0x48: {  	_ =	shalt  }
0x49: {  	_ =	shalt  }
0x4a: {  	_ =	shalt  }
0x4b: {  	_ =	shalt  }
0x4c: {  	_ =	shalt  }
0x4d: {  	_ =	shalt  }
0x4e: {  	_ =	shalt  }
0x4f: {  	_ =	shalt  }
0x50: {  	_ =	shalt  }
0x51: {  	_ =	shalt  }
0x52: {  	_ =	shalt  }
0x53: {  	_ =	shalt  }
0x54: {  	_ =	shalt  }
0x55: {  	_ =	shalt  }
0x56: {  	_ =	shalt  }
0x57: {  	_ =	shalt  }
0x58: {  	_ =	shalt  }
0x59: {  	_ =	shalt  }
0x5a: {  	_ =	shalt  }
0x5b: {  	_ =	shalt  }
0x5c: {  	_ =	shalt  }
0x5d: {  	_ =	shalt  }
0x5e: {  	_ =	shalt  }
0x5f: {  	_ =	shalt  }
0x60: {  	_ =	shalt  }
0x61: {  	_ =	shalt  }
0x62: {  	_ =	shalt  }
0x63: {  	_ =	shalt  }
0x64: {  	_ =	shalt  }
0x65: {  	_ =	shalt  }
0x66: {  	_ =	shalt  }
0x67: {  	_ =	shalt  }
0x68: {  	_ =	shalt  }
0x69: {  	_ =	shalt  }
0x6a: {  	_ =	shalt  }
0x6b: {  	_ =	shalt  }
0x6c: {  	_ =	shalt  }
0x6d: {  	_ =	shalt  }
0x6e: {  	_ =	shalt  }
0x6f: {  	_ =	shalt  }
0x70: {  	_ =	shalt  }
0x71: {  	_ =	shalt  }
0x72: {  	_ =	shalt  }
0x73: {  	_ =	shalt  }
0x74: {  	_ =	shalt  }
0x75: {  	_ =	shalt  }
0x76: {  	_ =	shalt  }
0x77: {  	_ =	shalt  }
0x78: {  	_ =	shalt  }
0x79: {  	_ =	shalt  }
0x7a: {  	_ =	shalt  }
0x7b: {  	_ =	shalt  }
0x7c: {  	_ =	shalt  }
0x7d: {  	_ =	shalt  }
0x7e: {  	_ =	shalt  }
0x7f: {  	_ =	shalt  }
0x80: {  	_ =	shalt  }
0x81: {  	_ =	shalt  }
0x82: {  	_ =	shalt  }
0x83: {  	_ =	shalt  }
0x84: {  	_ =	shalt  }
0x85: {  	_ =	shalt  }
0x86: {  	_ =	shalt  }
0x87: {  	_ =	shalt  }
.Lfunc_end0:
.L_simem_size_0:
called_computation_lowered:
.L_overlay_start_0:
0x88: {  	s2 =	sld [smem:$0x3FD9]  }
0x89: {  	s3 =	sld [smem:$0x3FFE];
	_ =	sdelay $0x1  }
0x8a: {  	s1 =	srdreg.scid  }
0x8b: {  	s0 =	sand.u32 $0x1, s1  }
0x8c: {  	s16 =	sshll.u32 s0, $0xA;
	s2 =	sadd.s32 s3, s2  }
0x8d: {  	s2 =	sadd.s32 s2, s16  }
0x8e: {  	[smem:$0x3FBD] =	sst s2  }
0x8f: {  	_ = 	snop  }
0x90: {  	(tm) =	ssettm $0x1  }
0x91: {  	s17 =	sld [smem:$0x3FFB];
	_ =	sdelay $0x3  }
0x92: {  	_ =	strace s17  }
0x93: {  	s2 =	sld [smem:$0x3FFC];
	_ =	sdelay $0x3  }
0x94: {  	_ =	strace s2  }
0x95: {  	s2 =	sld [smem:$0x3FFD];
	_ =	sdelay $0x3  }
0x96: {  	_ =	strace s2  }
0x97: {  	_ =	strace $0x8FFFFFFF  }
0x98: {  	s18 =	sld [smem:$0x3FDB];
	_ =	sdelay $0x1  }
0x99: {  	s19 =	simm.s32 $_scs_section_size  }
0x9a: {  	s4 =	simm.s32 $_size__tile_overlayer_lowered;
	s5 =	simm.s32 $_tile_overlayer_lowered  }
0x9b: {  	s22 =	simm.s32 $0x1BFF;
	s21 =	sshll.u32 s5, $0x1;
	s2 =	sadd.s32 s19, s18  }
0x9c: {  	s6 =	simm.s32 $0x0;
	s20 =	sshll.u32 s4, $0x1;
	s4 =	sadd.s32 s21, s2  }
0x9d: {  	[timem:s6], [sflag:s22] =	dma.local [hbm:s4], s20  }
0x9e: {  	_ =	swait.ge [sflag:s22], s20  }
0x9f: {  	s3 =	ssub.s32 $0x0, s20;
	[sflag:s22] =	ssyncset.done $0x0  }
0xa0: {  	[sflag:s22] =	ssyncadd.s32 s3;
	_ =	sdelay $0x1  }
0xa1: {  	s23 =	simm.s32 $0x1B8B  }
0xa2: {  	_ =	swait.ge [sflag:s23], $0x1  }
0xa3: {  	[sflag:s23] =	ssyncset.done $0x0  }
0xa4: {  	s25 =	simm.s32 $0x1B8E;
	s24 =	sld [smem:$0x3FFE];
	[sflag:s23] =	ssyncadd.s32 $0xFFFFFFFF  }
0xa5: {  	s26 =	simm.s32 $execute0_lowered;
	[smem:$0x3FD2] =	sst s25  }
0xa6: {  	s4 =	sshll.u32 s26, $0x1;
	_ =	strace $0x80000046;
	[dreg:$0x1] =	wrdreg $0xFFFFFFFF  }
0xa7: {  	s28 =	simm.s32 $_size_execute0_lowered;
	s2 =	sadd.s32 s2, s4;
	[dreg:$0x0] =	wrdreg $0x0  }
0xa8: {  	s4 =	sshll.u32 s28, $0x1;
	[dreg:$0x2] =	wrdreg s2  }
0xa9: {  	[dreg:$0x3] =	wrdreg s4  }
0xaa: {  	[dreg:$0x4] =	wrdreg $0xC0  }
0xab: {  	_ =	task [dreg:s6], $0x5FFFF  }
0xac: {  	[dreg:$0x1] =	wrdreg $0xFFFFFFFF  }
0xad: {  	[dreg:$0x0] =	wrdreg $0x60  }
0xae: {  	[dreg:$0x2] =	wrdreg s24  }
0xaf: {  	[dreg:$0x3] =	wrdreg $0xB8000  }
0xb0: {  	[dreg:$0x4] =	wrdreg $0x9  }
0xb1: {  	_ =	task.clear_ibuf [dreg:s6], $0x5FFFF;
	_ =	strace $0x90000046  }
0xb2: {  	s29 =	simm.s32 $0x9;
	_ =	strace $0x80000048  }
0xb3: {  	_ =	swait.ge [sflag:s29], $0x1  }
0xb4: {  	[sflag:s29] =	ssyncadd.s32 $0xFFFFFFFF  }
0xb5: {  	_ =	strace $0x90000048  }
0xb6: {  	_ =	sfence  }
0xb7: {  	s30 =	sld [smem:$0x0];
	_ =	sdelay $0x2  }
0xb8: {  	s31 =	sshll.u32 s1, $0xD;
	s1 =	sshrl.u32 s1, $0x2  }
0xb9: {  	s3 =	sand.u32 $0x4000, s31;
	s1 =	sadd.s32 s1, s30  }
0xba: {  	s0 =	sor.u32 s3, s0;
	s1 =	sshll.u32 s1, $0x11  }
0xbb: {  	s0 =	sor.u32 s1, s0  }
0xbc: {  	s0 =	sadd.s32 $0x8F2B, s0  }
0xbd: {  	[sflag:s0] =	ssyncadd.remote.s32 $0x1  }
0xbe: {  	_ =	sfence.sel $0xFFFF  }
0xbf: {  	[dreg:$0x0] =	wrdreg $0xFFFFFFFF;
	(pc) =	sbr.abs _section_cstart, $3  }
0xc0: {  	[dreg:$0x1] =	wrdreg $0xFFFFFFFF  }
0xc1: {  	_ =	task.clear_ibuf [dreg:s6], $0x2FFFF;
	_ =	strace $0x9FFFFFFF  }
0xc2: {  	(tm) =	ssettm $0x7FFFFFFF  }
0xc3: {  	_ =	shalt  }
tec
execute0_lowered:
.L_overlay_start_1:
0x0: {  	(tag) =	ssettag $0x1  }
0x1: {  	s0 =	rddreg [dreg:$0x0]  }
0x2: {  	s2 =	rddreg [dreg:$0x1]  }
0x3: {  	s1 =	srdreg.scid;
	s13 =	stileid.u32;
	s3 =	simm.s32 $0x0  }
0x4: {  	s15 =	simm.s32 $0x2800;
	s16 =	simm.s32 $0x5000;
	s18 =	simm.s32 $0x4  }
0x5: {  	s20 =	simm.s32 $0x1;
	s21 =	simm.s32 $0x50;
	s28 =	simm.s32 $0xB580  }
0x6: {  	s29 =	simm.s32 $0xB600;
	s30 =	simm.s32 $0x0;
	s1 =	sand.u32 $0x1, s1  }
0x7: {  	s4 =	smul.u32 $0x2800, s13;
	[smem:$0x7FF] =	sst s3;
	s10 =	sadd.s32 $0x4F3600, s0  }
0x8: {  	s11 =	smul.u32 $0x50000, s13;
	s26 =	sshll.u32 s13, $0x6;
	s5 =	sshll.u32 s1, $0x4  }
0x9: {  	s6 =	smul.u32 $0x28000, s1;
	_ =	strace $0x80000047;
	s22 =	ssub.s32 $0x2, s1  }
0xa: {  	s1 =	smul.u32 $0x271000, s1;
	s5 =	sor.u32 s13, s5;
	s24 =	sshrl.u32 s22, $0x1  }
0xb: {  	s25 =	sshrl.u32 s11, $0x2;
	s13 =	smul.u32 $0x27100, s13;
	s7 =	sshll.u32 s5, $0xB  }
0xc: {  	s6 =	sadd.s32 s4, s6;
	s8 =	smul.u32 $0x138800, s5;
	s4 =	sadd.s32 $0x1600, s0  }
0xd: {  	s5 =	smul.u32 $0x27100, s5;
	s12 =	ssub.s32 s22, s24;
	s14 =	sadd.s32 s25, s2  }
0xe: {  	s1 =	sadd.s32 s1, s10;
	s22 =	simm.s32 $0x2;
	s25 =	simm.s32 $0xB480  }
0xf: {  	s9 =	sadd.s32 s7, s0;
	s0 =	sadd.s32 s6, s0;
	s11 =	smax.u32 s12, $0x1  }
0x10: {  	s31 =	sadd.s32 s13, s1;
	s17 =	sshrl.u32 s14, $0x3;
	s23 =	sshrl.u32 s8, $0x3  }
0x11: {  	s5 =	sadd.s32 s10, s5;
	s8 =	sor.u32 $0x1C04, s26;
	s9 =	sadd.s32 $0x4E3600, s9  }
0x12: {  	s1 =	sadd.s32 $0x1900, s31;
	s26 =	simm.s32 $0xB500;
	s7 =	sadd.s32 s10, s23  }
0x13: {  	s10 =	sadd.s32 $0x3E00, s0;
	s12 =	sadd.s32 $0x26700, s5;
	s13 =	sadd.s32 $0x26C00, s5  }
0x14: {  	s23 =	simm.s32 $0x3;
	s6 =	sadd.s32 $0x500, s7;
	s7 =	sadd.s32 $0xA00, s7  }
.LBB2_1:
0x15: {  	[tilespmem:s3], [sflag:$0x1] =	stream.linear.gather [hbm4b:s5+s3], $0x2800, $0x38;
	[tilespmem:$0x1F800] =	vst v63  }
0x16: {  	_ = 	snop  }
0x17: {  	[tilespmem:s15], [sflag:$0x2] =	stream.linear.gather [hbm4b:s6+s3], $0x2800, $0x38;
	[tilespmem:$0x1F800] =	vst v63  }
0x18: {  	_ = 	snop  }
0x19: {  	[tilespmem:s16], [sflag:$0x3] =	stream.linear.gather [hbm4b:s7+s3], $0x2800, $0x38;
	[tilespmem:$0x1F800] =	vst v63  }
0x1a: {  	[spmem:s17], [sflag:s8] =	dma.local [hbm:s4], $0x2800  }
0x1b: {  	_ =	swait.ge [sflag:s18], $0x2800  }
0x1c: {  	[sflag:s18] =	ssyncset.done $0x0  }
0x1d: {  	s0 =	simm.s32 $0x7800;
	[sflag:s18] =	ssyncadd.s32 $0xFFFFD800  }
0x1e: {  	[tilespmem:s0], [sflag:$0x4] =	stream.linear.gather [hbm4b:s9+s3], $0x3E80, $0x38;
	[tilespmem:$0x1F800] =	vst v63  }
0x1f: {  	_ =	swait.ge [sflag:s18], $0x3E80  }
0x20: {  	[sflag:s18] =	ssyncset.done $0x0  }
0x21: {  	[sflag:s18] =	ssyncadd.s32 $0xFFFFC180  }
0x22: {  	[bflag:$0x0] =	sbarrier.arrive $0xFFFF  }
0x23: {  	_ =	swait.ge [sflag:s20], $0x2800  }
0x24: {  	[sflag:s20] =	ssyncset.done $0x0  }
0x25: {  	s19 =	simm.s32 $0x7800;
	[sflag:s20] =	ssyncadd.s32 $0xFFFFD800  }
0x26: {  	[spmem:s2] =	stream.indirect.scatter.add.f32 [tilespmem:s3], [sflag:$0x4], $0x80, s19, s21, $0xb8;
	[tilespmem:$0x1F800] =	vst v63  }
0x27: {  	_ =	swait.ge [sflag:s18], $0x2800  }
0x28: {  	[sflag:s18] =	ssyncset.done $0x0  }
0x29: {  	s24 =	sadd.s32 $0xFFFFF600, s1;
	[sflag:s18] =	ssyncadd.s32 $0xFFFFD800  }
0x2a: {  	[tilespmem:s3], [sflag:$0x1] =	stream.linear.gather [hbm4b:s24+s3], $0x2800, $0x38;
	[tilespmem:$0x1F800] =	vst v63  }
0x2b: {  	_ =	swait.ge [sflag:s22], $0x2800  }
0x2c: {  	[sflag:s22] =	ssyncset.done $0x0  }
0x2d: {  	s14 =	simm.s32 $0x7880;
	[sflag:s22] =	ssyncadd.s32 $0xFFFFD800  }
0x2e: {  	[spmem:s2] =	stream.indirect.scatter.add.f32 [tilespmem:s15], [sflag:$0x4], $0x80, s14, s21, $0xb8;
	[tilespmem:$0x1F800] =	vst v63  }
0x2f: {  	_ =	swait.ge [sflag:s18], $0x2800  }
0x30: {  	[sflag:s18] =	ssyncset.done $0x0  }
0x31: {  	s19 =	sadd.s32 $0xFFFFFB00, s1;
	[sflag:s18] =	ssyncadd.s32 $0xFFFFD800  }
0x32: {  	[tilespmem:s15], [sflag:$0x2] =	stream.linear.gather [hbm4b:s19+s3], $0x2800, $0x38;
	[tilespmem:$0x1F800] =	vst v63  }
0x33: {  	_ =	swait.ge [sflag:s23], $0x2800  }
0x34: {  	[sflag:s23] =	ssyncset.done $0x0  }
0x35: {  	s24 =	simm.s32 $0x7900;
	[sflag:s23] =	ssyncadd.s32 $0xFFFFD800  }
0x36: {  	[spmem:s2] =	stream.indirect.scatter.add.f32 [tilespmem:s16], [sflag:$0x4], $0x80, s24, s21, $0xb8;
	[tilespmem:$0x1F800] =	vst v63  }
0x37: {  	_ =	swait.ge [sflag:s18], $0x2800  }
0x38: {  	s31 =	simm.s32 $0x600;
	[sflag:s18] =	ssyncset.done $0x0  }
0x39: {  	s0 =	sadd.s32 $0xF00, s1;
	s14 =	smov.u32 s1;
	[sflag:s18] =	ssyncadd.s32 $0xFFFFD800  }
.LBB2_2:
0x3a: {  	[tilespmem:s16], [sflag:$0x3] =	stream.linear.gather [hbm4b:s14+s3], $0x2800, $0x38;
	[tilespmem:$0x1F800] =	vst v63  }
0x3b: {  	s19 =	smov.u32 s31;
	s14 =	smov.u32 s0  }
0x3c: {  	p0 =	sne.s32 s31, $0xEA00;
	s31 =	sadd.s32 $0x600, s31;
	_ =	swait.ge [sflag:s20], $0x2800  }
0x3d: {  	s19 =	sshra.s32 s19, $0x2;
	[sflag:s20] =	ssyncset.done $0x0  }
0x3e: {  	s24 =	sadd.s32 $0x7800, s19;
	[sflag:s20] =	ssyncadd.s32 $0xFFFFD800  }
0x3f: {  	[spmem:s2] =	stream.indirect.scatter.add.f32 [tilespmem:s3], [sflag:$0x4], $0x80, s24, s21, $0xb8;
	[tilespmem:$0x1F800] =	vst v63  }
0x40: {  	_ =	swait.ge [sflag:s18], $0x2800  }
0x41: {  	[sflag:s18] =	ssyncset.done $0x0  }
0x42: {  	s24 =	sadd.s32 $0xFFFFF600, s0;
	[sflag:s18] =	ssyncadd.s32 $0xFFFFD800  }
0x43: {  	[tilespmem:s3], [sflag:$0x1] =	stream.linear.gather [hbm4b:s24+s3], $0x2800, $0x38;
	[tilespmem:$0x1F800] =	vst v63  }
0x44: {  	_ =	swait.ge [sflag:s22], $0x2800  }
0x45: {  	[sflag:s22] =	ssyncset.done $0x0  }
0x46: {  	s24 =	sadd.s32 $0x7880, s19;
	[sflag:s22] =	ssyncadd.s32 $0xFFFFD800  }
0x47: {  	[spmem:s2] =	stream.indirect.scatter.add.f32 [tilespmem:s15], [sflag:$0x4], $0x80, s24, s21, $0xb8;
	[tilespmem:$0x1F800] =	vst v63  }
0x48: {  	_ =	swait.ge [sflag:s18], $0x2800  }
0x49: {  	[sflag:s18] =	ssyncset.done $0x0  }
0x4a: {  	s24 =	sadd.s32 $0xFFFFFB00, s0;
	[sflag:s18] =	ssyncadd.s32 $0xFFFFD800  }
0x4b: {  	[tilespmem:s15], [sflag:$0x2] =	stream.linear.gather [hbm4b:s24+s3], $0x2800, $0x38;
	[tilespmem:$0x1F800] =	vst v63  }
0x4c: {  	_ =	swait.ge [sflag:s23], $0x2800  }
0x4d: {  	[sflag:s23] =	ssyncset.done $0x0  }
.Ltmp0:
0x4e: {  	s19 =	sadd.s32 $0x7900, s19;
	[sflag:s23] =	ssyncadd.s32 $0xFFFFD800;
	(pc) =	sbr.rel @p0 .LBB2_2-.Ltmp0, $4  }
0x4f: {  	[spmem:s2] =	stream.indirect.scatter.add.f32 [tilespmem:s16], [sflag:$0x4], $0x80, s19, s21, $0xb8;
	[tilespmem:$0x1F800] =	vst v63  }
0x50: {  	_ =	swait.ge [sflag:s18], $0x2800  }
0x51: {  	[sflag:s18] =	ssyncset.done $0x0  }
0x52: {  	s0 =	sadd.s32 $0xF00, s0;
	[sflag:s18] =	ssyncadd.s32 $0xFFFFD800  }
0x53: {  	[tilespmem:s16], [sflag:$0x3] =	stream.linear.gather [hbm4b:s14+s3], $0x2800, $0x38;
	[tilespmem:$0x1F800] =	vst v63  }
0x54: {  	_ =	swait.ge [sflag:s20], $0x2800  }
0x55: {  	[sflag:s20] =	ssyncset.done $0x0  }
0x56: {  	s0 =	simm.s32 $0xB400;
	[sflag:s20] =	ssyncadd.s32 $0xFFFFD800  }
0x57: {  	[spmem:s2] =	stream.indirect.scatter.add.f32 [tilespmem:s3], [sflag:$0x4], $0x80, s0, s21, $0xb8;
	[tilespmem:$0x1F800] =	vst v63  }
0x58: {  	_ =	swait.ge [sflag:s18], $0x2800  }
0x59: {  	[sflag:s18] =	ssyncset.done $0x0  }
0x5a: {  	[sflag:s18] =	ssyncadd.s32 $0xFFFFD800  }
0x5b: {  	[tilespmem:s3], [sflag:$0x1] =	stream.linear.gather [hbm4b:s12+s3], $0x2800, $0x38;
	[tilespmem:$0x1F800] =	vst v63  }
0x5c: {  	_ =	swait.ge [sflag:s22], $0x2800  }
0x5d: {  	[sflag:s22] =	ssyncset.done $0x0  }
0x5e: {  	[sflag:s22] =	ssyncadd.s32 $0xFFFFD800  }
0x5f: {  	[spmem:s2] =	stream.indirect.scatter.add.f32 [tilespmem:s15], [sflag:$0x4], $0x80, s25, s21, $0xb8;
	[tilespmem:$0x1F800] =	vst v63  }
0x60: {  	_ =	swait.ge [sflag:s18], $0x2800  }
0x61: {  	[sflag:s18] =	ssyncset.done $0x0  }
0x62: {  	[sflag:s18] =	ssyncadd.s32 $0xFFFFD800  }
0x63: {  	[tilespmem:s15], [sflag:$0x2] =	stream.linear.gather [hbm4b:s13+s3], $0x2800, $0x38;
	[tilespmem:$0x1F800] =	vst v63  }
0x64: {  	_ =	swait.ge [sflag:s23], $0x2800  }
0x65: {  	[sflag:s23] =	ssyncset.done $0x0  }
0x66: {  	[sflag:s23] =	ssyncadd.s32 $0xFFFFD800  }
0x67: {  	[spmem:s2] =	stream.indirect.scatter.add.f32 [tilespmem:s16], [sflag:$0x4], $0x80, s26, s21, $0xb8;
	[tilespmem:$0x1F800] =	vst v63  }
0x68: {  	_ =	swait.ge [sflag:s18], $0x2800  }
0x69: {  	[sflag:s18] =	ssyncset.done $0x0  }
0x6a: {  	[sflag:s18] =	ssyncadd.s32 $0xFFFFD800  }
0x6b: {  	_ =	swait.ge [sflag:s20], $0x2800  }
0x6c: {  	[sflag:s20] =	ssyncset.done $0x0  }
0x6d: {  	[sflag:s20] =	ssyncadd.s32 $0xFFFFD800  }
0x6e: {  	[spmem:s2] =	stream.indirect.scatter.add.f32 [tilespmem:s3], [sflag:$0x4], $0x80, s28, s21, $0xb8;
	[tilespmem:$0x1F800] =	vst v63  }
0x6f: {  	_ =	swait.ge [sflag:s18], $0x2800  }
0x70: {  	[sflag:s18] =	ssyncset.done $0x0  }
0x71: {  	[sflag:s18] =	ssyncadd.s32 $0xFFFFD800  }
0x72: {  	_ =	swait.ge [sflag:s22], $0x2800  }
0x73: {  	[sflag:s22] =	ssyncset.done $0x0  }
0x74: {  	[sflag:s22] =	ssyncadd.s32 $0xFFFFD800  }
0x75: {  	[spmem:s2] =	stream.indirect.scatter.add.f32 [tilespmem:s15], [sflag:$0x4], $0x80, s29, s21, $0xb8;
	[tilespmem:$0x1F800] =	vst v63  }
0x76: {  	_ =	swait.ge [sflag:s18], $0x2800  }
0x77: {  	s30 =	sadd.s32 $0x1, s30;
	[sflag:s18] =	ssyncset.done $0x0  }
0x78: {  	p0 =	sne.s32 s30, s11;
	[sflag:s18] =	ssyncadd.s32 $0xFFFFD800  }
.Ltmp1:
0x79: {  	[bflag:$0x0] =	sbarrier.arrive $0xFFFF;
	(pc) =	sbr.rel @p0 .LBB2_1-.Ltmp1, $4  }
0x7a: {  	[hbm:s10], [sflag:s8] =	dma.local [spmem:s17], $0x2800  }
0x7b: {  	_ =	swait.ge [sflag:s18], $0x2800  }
0x7c: {  	[sflag:s18] =	ssyncset.done $0x0  }
0x7d: {  	[sflag:s18] =	ssyncadd.s32 $0xFFFFD800  }
0x7e: {  	_ =	sfence.sel $0x180000  }
0x7f: {  	[bflag:$0x0] =	sbarrier.arrive $0xFFFF  }
0x80: {  	_ =	strace $0x90000047  }
0x81: {  	s0 =	stileid.u32;
	[bflag:$0x2] =	sbarrier.arrive $0xFFFF  }
0x82: {  	p0 =	sne.s32 s0, $0x0;
	s0 =	rddreg [dreg:$0x2]  }
0x83: {  	s0 =	sadd.s32 @!p0 $0x100000, s0  }
0x84: {  	[sflag:s0] =	ssyncadd.tile.s32 @!p0 $0x1;
	_ =	shalt  }
.Lfunc_end2:
_tile_overlayer_lowered:
.L_overlay_start_2:
0x85: {  	(tag) =	ssettag $0x2  }
0x86: {  	s0 =	rddreg [dreg:$0x0];
	s2 =	stileid.u32  }
0x87: {  	s1 =	rddreg [dreg:$0x1];
	p0 =	sne.s32 s2, $0x0  }
0x88: {  	s3 =	rddreg [dreg:$0x2];
	[bflag:$0x3] =	sbarrier.arrive $0xFFFF;
	s2 =	simm.s32 @!p0 $0x1C04  }
0x89: {  	[timem:s3], [sflag:s2] =	dma.local @!p0 [hbm:s0], s1  }
0x8a: {  	s0 =	simm.s32 @!p0 $0x4  }
0x8b: {  	_ =	swait.ge @!p0 [sflag:s0], s1  }
0x8c: {  	s1 =	ssub.s32 @!p0 $0x0, s1;
	[sflag:s0] =	ssyncset.done @!p0 $0x0  }
0x8d: {  	[sflag:s0] =	ssyncadd.s32 @!p0 s1  }
0x8e: {  	[bflag:$0x3] =	sbarrier.arrive $0xFFFF  }
0x8f: {  	_ =	shalt  }

</sc_bundles>
